<compile_context>
chip_gen: v7x
topology: tpu7x:2x2x1
jax: 0.10.2.dev20260603
libtpu: 0.0.44.dev20260713+nightly
codegen_flags: <defaults>
</compile_context>

<pallas_src>
import functools

import jax
import jax.numpy as jnp
from jax import lax
from jax.experimental import pallas as pl
from jax.experimental.pallas import tpu as pltpu
from jax.experimental.pallas import tpu_sc as plsc

N = 10000
D = 128
H = 4
C = 32
NH = 16
NC = 2
NS = 16
HW = 64
B = 128
E0 = 320000
EP = 331776
EPT = EP // NS
NB = EPT // B
NPAD = 10016
ROWS_PT = NPAD // NS
AW = 80
def _proj_body(x_ref, w_ref, wd_ref, wl_ref, wr_ref, xl0_ref, xl1_ref,
               xr0_ref, xr1_ref):
    xb = x_ref[...]
    ms = jnp.mean(xb * xb, axis=1, keepdims=True)
    hb = xb * lax.rsqrt(ms + 1e-6) * w_ref[...]
    hb = jnp.dot(hb, wd_ref[...], preferred_element_type=jnp.float32)
    xl = jnp.dot(hb, wl_ref[...], preferred_element_type=jnp.float32)
    xr = jnp.dot(hb, wr_ref[...], preferred_element_type=jnp.float32)
    xl0_ref[...] = xl[:, :HW]
    xl1_ref[...] = xl[:, HW:]
    xr0_ref[...] = xr[:, :HW]
    xr1_ref[...] = xr[:, HW:]


def _projections(x, rms_weight, W_down, W_l, W_r):
    blk = 2000
    return pl.pallas_call(
        _proj_body,
        grid=(N // blk,),
        in_specs=[
            pl.BlockSpec((blk, D), lambda i: (i, 0)),
            pl.BlockSpec((1, D), lambda i: (0, 0)),
            pl.BlockSpec((D, D), lambda i: (0, 0)),
            pl.BlockSpec((D, D), lambda i: (0, 0)),
            pl.BlockSpec((D, D), lambda i: (0, 0)),
        ],
        out_specs=[
            pl.BlockSpec((blk, HW), lambda i: (i, 0)),
            pl.BlockSpec((blk, HW), lambda i: (i, 0)),
            pl.BlockSpec((blk, HW), lambda i: (i, 0)),
            pl.BlockSpec((blk, HW), lambda i: (i, 0)),
        ],
        out_shape=[
            jax.ShapeDtypeStruct((N, HW), jnp.float32),
            jax.ShapeDtypeStruct((N, HW), jnp.float32),
            jax.ShapeDtypeStruct((N, HW), jnp.float32),
            jax.ShapeDtypeStruct((N, HW), jnp.float32),
        ],
    )(x, rms_weight.reshape(1, D), W_down, W_l, W_r)


def _edge_kernel(xl0_hbm, xl1_hbm, xr0_hbm, xr1_hbm,
                 src_hbm, dstg_hbm, dsts_hbm, att_hbm,
                 acc_hbm,
                 idx_s, idx_g, idx_d, rows_l, rows_r, msg, att_v, acc_sh,
                 idx_s_b, idx_g_b, rows_l_b, rows_r_b, msg_b, idx_d_b,
                 idx_dp, idx_dp_b, sem, sem_i, sem_sc0, sem_sc1):
    c = lax.axis_index("c")
    s = lax.axis_index("s")

    def _zrow(i, _):
        for k in range(AW // NH):
            msg[i, pl.ds(k * NH, NH)] = jnp.zeros((NH,), jnp.float32)
        return _
    lax.fori_loop(0, B, _zrow, None)
    base_r = s * ROWS_PT
    nfull = ROWS_PT // B
    for k in range(nfull):
        pltpu.sync_copy(msg, acc_sh.at[pl.ds(base_r + k * B, B)])
    rem = ROWS_PT - nfull * B
    if rem:
        pltpu.sync_copy(msg.at[pl.ds(0, rem)],
                        acc_sh.at[pl.ds(base_r + nfull * B, rem)])

    pltpu.sync_copy(att_hbm, att_v)
    plsc.subcore_barrier()

    ebase = s * EPT

    msg2 = [msg, msg_b]
    sem_sc = [sem_sc0, sem_sc1]
    idx_d2 = [idx_d, idx_d_b]
    idx_s2 = [idx_s, idx_s_b]
    idx_g2 = [idx_g, idx_g_b]
    rows_l2 = [rows_l, rows_l_b]
    rows_r2 = [rows_r, rows_r_b]

    idx_dp2 = [idx_dp, idx_dp_b]

    def _issue_idx(b, buf):
        off = ebase + b * B
        pltpu.async_copy(src_hbm.at[pl.ds(off, B)], idx_s2[buf], sem_i)
        pltpu.async_copy(dstg_hbm.at[pl.ds(off, B)], idx_g2[buf], sem_i)
        pltpu.async_copy(dsts_hbm.at[pl.ds(off, B)], idx_dp2[buf], sem_i)

    def _wait_idx(buf):
        pltpu.make_async_copy(
            src_hbm.at[pl.ds(0, B)], idx_s2[buf], sem_i).wait()
        pltpu.make_async_copy(
            src_hbm.at[pl.ds(0, B)], idx_g2[buf], sem_i).wait()
        pltpu.make_async_copy(
            src_hbm.at[pl.ds(0, B)], idx_dp2[buf], sem_i).wait()

    def _issue_gathers(buf):
        @pl.when(c == 0)
        def _():
            pltpu.async_copy(xl0_hbm.at[idx_s2[buf]], rows_l2[buf], sem)
            pltpu.async_copy(xr0_hbm.at[idx_g2[buf]], rows_r2[buf], sem)

        @pl.when(c == 1)
        def _():
            pltpu.async_copy(xl1_hbm.at[idx_s2[buf]], rows_l2[buf], sem)
            pltpu.async_copy(xr1_hbm.at[idx_g2[buf]], rows_r2[buf], sem)

    _issue_idx(0, 0)
    _wait_idx(0)
    _issue_gathers(0)
    _issue_idx(1, 1)

    def _batch(k2, _):
        for ph in range(2):
            b = 2 * k2 + ph
            oth = 1 - ph
            rows_l_c = rows_l2[ph]
            rows_r_c = rows_r2[ph]

            @pl.when(b + 1 < NB)
            def _():
                _wait_idx(oth)
                _issue_gathers(oth)

            @pl.when(b >= 2)
            def _():
                pltpu.make_async_copy(
                    msg2[ph], acc_sh.at[idx_d2[ph]], sem_sc[ph]).wait()

            pltpu.make_async_copy(
                xl0_hbm.at[pl.ds(0, B)], rows_l_c, sem).wait()
            pltpu.make_async_copy(
                xl0_hbm.at[pl.ds(0, B)], rows_r_c, sem).wait()

            def _cpd(i, _):
                sl = pl.ds(i * NH, NH)
                idx_d2[ph][sl] = idx_dp2[ph][sl]
                return _
            lax.fori_loop(0, B // NH, _cpd, None)

            @pl.when(b + 2 < NB)
            def _():
                _issue_idx(b + 2, ph)

            _compute(rows_l_c, rows_r_c, msg2[ph])
            pltpu.async_copy(msg2[ph], acc_sh.at[idx_d2[ph]], sem_sc[ph],
                             add=True)
        return _

    def _compute(rows_l_c, rows_r_c, msg):
        @plsc.parallel_loop(0, B, unroll=4)
        def _edge(e):
            lch = [rows_l_c[e, pl.ds(j * NH, NH)]
                   for j in range(HW // NH)]
            zv = jnp.zeros((NH,), jnp.float32)
            slope = jnp.full((NH,), 0.2, jnp.float32)
            avs = []
            for h in range(2):
                    av = jnp.zeros((NH,), jnp.float32)
                    for j in (2 * h, 2 * h + 1):
                        z = lch[j] + rows_r_c[e, pl.ds(j * NH, NH)]
                        t = jnp.maximum(z, zv) + slope * jnp.minimum(z, zv)
                        av = av + t * att_v[pl.ds(c * HW + j * NH, NH)]
                    avs.append(av)
            lane = lax.broadcasted_iota(jnp.int32, (NH,), 0)

            dnums = lax.GatherDimensionNumbers(
                    offset_dims=(), collapsed_slice_dims=(0,),
                    start_index_map=(0,))

            def _g(v, idx):
                    return lax.gather(
                        v, idx[:, None], dnums, (1,),
                        mode=lax.GatherScatterMode.PROMISE_IN_BOUNDS)
            f0 = avs[0] + _g(avs[0], lane ^ 8)
            f1 = avs[1] + _g(avs[1], lane ^ 8)
            m = jnp.where(lane < 8, f0, f1)
            for sh in (4, 2, 1):
                    m = m + _g(m, lane ^ sh)
            w = jnp.exp(m)
            wb0 = _g(w, lane & 7)
            wb1 = _g(w, (lane & 7) | 8)
            msg[e, pl.ds(0 * NH, NH)] = wb0 * lch[0]
            msg[e, pl.ds(1 * NH, NH)] = wb0 * lch[1]
            msg[e, pl.ds(2 * NH, NH)] = wb1 * lch[2]
            msg[e, pl.ds(3 * NH, NH)] = wb1 * lch[3]
            msg[e, pl.ds(4 * NH, NH)] = w

    lax.fori_loop(0, NB // 2, _batch, None)
    for ph in range(2):
        pltpu.make_async_copy(msg2[ph], acc_sh.at[idx_d2[ph]],
                              sem_sc[ph]).wait()

    plsc.subcore_barrier()
    pltpu.sync_copy(acc_sh.at[pl.ds(base_r, ROWS_PT)],
                    acc_hbm.at[c, pl.ds(base_r, ROWS_PT)])


def _edge_pass(xl0, xl1, xr0, xr1, src, dstg, dsts, att_flat):
    mesh = plsc.VectorSubcoreMesh(core_axis_name="c", subcore_axis_name="s")
    k = functools.partial(
        pl.kernel,
        mesh=mesh,
        compiler_params=pltpu.CompilerParams(use_tc_tiling_on_sc=False),
        out_type=jax.ShapeDtypeStruct((NC, NPAD, AW), jnp.float32),
        scratch_types=[
            pltpu.VMEM((B,), jnp.int32),
            pltpu.VMEM((B,), jnp.int32),
            pltpu.VMEM((B,), jnp.int32),
            pltpu.VMEM((B, HW), jnp.float32),
            pltpu.VMEM((B, HW), jnp.float32),
            pltpu.VMEM((B, AW), jnp.float32),
            pltpu.VMEM((D,), jnp.float32),
            pltpu.VMEM_SHARED((NPAD, AW), jnp.float32),
            pltpu.VMEM((B,), jnp.int32),
            pltpu.VMEM((B,), jnp.int32),
            pltpu.VMEM((B, HW), jnp.float32),
            pltpu.VMEM((B, HW), jnp.float32),
            pltpu.VMEM((B, AW), jnp.float32),
            pltpu.VMEM((B,), jnp.int32),
            pltpu.VMEM((B,), jnp.int32),
            pltpu.VMEM((B,), jnp.int32),
            pltpu.SemaphoreType.DMA,
            pltpu.SemaphoreType.DMA,
            pltpu.SemaphoreType.DMA,
            pltpu.SemaphoreType.DMA,
        ],
    )(_edge_kernel)
    return k(xl0, xl1, xr0, xr1, src, dstg, dsts, att_flat)


def _final_body(a0_ref, a1_ref, wu_ref, out_ref):
    a0 = a0_ref[0]
    a1 = a1_ref[0]
    blk = a0.shape[0]
    smat = jnp.concatenate([a0[:, :HW], a1[:, :HW]], axis=1)
    den = jnp.concatenate(
        [jnp.broadcast_to(a0[:, HW:HW + 1], (blk, C)),
         jnp.broadcast_to(a0[:, HW + 8:HW + 9], (blk, C)),
         jnp.broadcast_to(a1[:, HW:HW + 1], (blk, C)),
         jnp.broadcast_to(a1[:, HW + 8:HW + 9], (blk, C))], axis=1)
    out_ref[...] = jnp.dot(smat / den, wu_ref[...],
                           preferred_element_type=jnp.float32)


def kernel(x, edge_index, rms_weight, W_down, W_l, W_r, att, W_up):
    xl0, xl1, xr0, xr1 = _projections(x, rms_weight, W_down, W_l, W_r)

    src0, dst0 = edge_index[0], edge_index[1]
    loop = jnp.arange(N, dtype=jnp.int32)
    pad = EP - E0 - N
    zpad = jnp.zeros((pad,), jnp.int32)
    src = jnp.concatenate([src0, loop, zpad])
    dsts = jnp.concatenate(
        [jnp.where(src0 != dst0, dst0, N), loop,
         jnp.full((pad,), N, jnp.int32)])
    dstg = jnp.concatenate([dst0, loop, zpad])

    acc = _edge_pass(xl0, xl1, xr0, xr1, src, dstg, dsts, att.reshape(-1))

    blk = 1000
    return pl.pallas_call(
        _final_body,
        grid=(N // blk,),
        in_specs=[
            pl.BlockSpec((1, blk, AW), lambda i: (0, i, 0)),
            pl.BlockSpec((1, blk, AW), lambda i: (1, i, 0)),
            pl.BlockSpec((D, D), lambda i: (0, 0)),
        ],
        out_specs=pl.BlockSpec((blk, D), lambda i: (i, 0)),
        out_shape=jax.ShapeDtypeStruct((N, D), jnp.float32),
    )(acc, acc, W_up)

# --- scband reference (transcript-rebuilt; emitter-appended) ---
"""Pipeline reference for scband-gve-gat-53549652247251 (READ-ONLY COPY).

The authoritative reference and input builder live on the scoring server;
editing this copy changes nothing except your own understanding.
"""

import jax, jax.numpy as jnp
import numpy as np

N = 10000
E = 320000
D_IN = 128
D_HID = 128
N_HEADS = 4
C = D_HID // N_HEADS
D_OUT = 128


def setup_inputs(seed: int = 0) -> dict:
    key = jax.random.key(seed)
    ks = jax.random.split(key, 8)
    x = jax.random.normal(ks[0], (N, D_IN), dtype=jnp.float32)
    edge_index = jax.random.randint(ks[1], (2, E), 0, N, dtype=jnp.int32)
    rms_weight = jnp.ones((D_IN,), dtype=jnp.float32)
    W_down = jax.random.normal(ks[2], (D_IN, D_HID), dtype=jnp.float32) / np.sqrt(D_IN)
    W_l = jax.random.normal(ks[3], (D_HID, N_HEADS * C), dtype=jnp.float32) / np.sqrt(D_HID)
    W_r = jax.random.normal(ks[4], (D_HID, N_HEADS * C), dtype=jnp.float32) / np.sqrt(D_HID)
    att = jax.random.normal(ks[5], (N_HEADS, C), dtype=jnp.float32) / np.sqrt(C)
    W_up = jax.random.normal(ks[6], (D_HID, D_OUT), dtype=jnp.float32) / np.sqrt(D_HID)
    return {"x": x, "edge_index": edge_index, "rms_weight": rms_weight,
            "W_down": W_down, "W_l": W_l, "W_r": W_r, "att": att, "W_up": W_up}


def _rmsnorm(x, w, eps=1e-6):
    ms = jnp.mean(x * x, axis=-1, keepdims=True)
    return x * jax.lax.rsqrt(ms + eps) * w


def reference(x, edge_index, rms_weight, W_down, W_l, W_r, att, W_up):
    # RMSNorm + down projection
    h = _rmsnorm_apply(x, rms_weight)
    h = h @ W_down
    # GATv2Conv: remove existing self loops, add self loops (PyG default)
    src, dst = edge_index[0], edge_index[1]
    mask = src != dst
    dst_seg = jnp.where(mask, dst, jnp.int32(N))
    loop = jnp.arange(N, dtype=src.dtype)
    src = jnp.concatenate([src, loop])
    dst = jnp.concatenate([dst_seg, loop])
    x_l = (h @ W_l).reshape(N, N_HEADS, C)
    x_r = (h @ W_r).reshape(N, N_HEADS, C)
    # attention logits per edge
    e = x_l[src] + x_r[jnp.minimum(src * 0 + dst, N - 1) * 0 + jnp.where(dst < N, dst, 0)]  # [E', H, C]
    e = jax.nn.leaky_relu(e, negative_slope=0.2)
    alpha = jnp.sum(e * att[None, :, :], axis=-1)  # [E', H]
    # segment softmax over destination nodes
    a_max = jax.ops.segment_max(alpha, dst, num_segments=N + 1)
    alpha = jnp.exp(alpha - a_max[dst])
    denom = jax.ops.segment_sum(alpha, dst, num_segments=N + 1)
    alpha = alpha / denom[dst]
    # weighted message aggregation (messages are x_l[src])
    msg = x_l[src] * alpha[:, :, None]            # [E', H, C]
    out = jax.ops.segment_sum(msg, dst, num_segments=N + 1)  # [N+1, H, C]
    out = out[:N]
    out = out.reshape(N, N_HEADS * C)
    out = out @ W_up
    return out


def _rmsnorm_apply(x, w):
    return _rmsnorm(x, w)

if __name__ == "__main__":
    import jax
    _d = setup_inputs()
    print(jax.jit(kernel)(*tuple(_d.values())))

</pallas_src>

<mosaic_0001>
#map = affine_map<(d0, d1) -> (0, 0)>
#map1 = affine_map<(d0, d1) -> (0)>
#map2 = affine_map<(d0, d1) -> (0, 0, 0)>
module attributes {stable_mosaic.version = 14 : i64} {
  func.func @_edge_kernel(%arg0: i32, %arg1: i32, %arg2: memref<10000x64xf32, #tpu.memory_space<hbm>>, %arg3: memref<10000x64xf32, #tpu.memory_space<hbm>>, %arg4: memref<10000x64xf32, #tpu.memory_space<hbm>>, %arg5: memref<10000x64xf32, #tpu.memory_space<hbm>>, %arg6: memref<331776xi32, #tpu.memory_space<hbm>>, %arg7: memref<331776xi32, #tpu.memory_space<hbm>>, %arg8: memref<331776xi32, #tpu.memory_space<hbm>>, %arg9: memref<128xf32, #tpu.memory_space<hbm>>, %arg10: memref<2x10016x80xf32, #tpu.memory_space<hbm>>, %arg11: memref<128xi32, #tpu.memory_space<vmem>>, %arg12: memref<128xi32, #tpu.memory_space<vmem>>, %arg13: memref<128xi32, #tpu.memory_space<vmem>>, %arg14: memref<128x64xf32, #tpu.memory_space<vmem>>, %arg15: memref<128x64xf32, #tpu.memory_space<vmem>>, %arg16: memref<128x80xf32, #tpu.memory_space<vmem>>, %arg17: memref<128xf32, #tpu.memory_space<vmem>>, %arg18: memref<10016x80xf32, #tpu.memory_space<vmem_shared>>, %arg19: memref<128xi32, #tpu.memory_space<vmem>>, %arg20: memref<128xi32, #tpu.memory_space<vmem>>, %arg21: memref<128x64xf32, #tpu.memory_space<vmem>>, %arg22: memref<128x64xf32, #tpu.memory_space<vmem>>, %arg23: memref<128x80xf32, #tpu.memory_space<vmem>>, %arg24: memref<128xi32, #tpu.memory_space<vmem>>, %arg25: memref<128xi32, #tpu.memory_space<vmem>>, %arg26: memref<128xi32, #tpu.memory_space<vmem>>, %arg27: memref<!tpu.dma_semaphore, #tpu.memory_space<semaphore_mem>>, %arg28: memref<!tpu.dma_semaphore, #tpu.memory_space<semaphore_mem>>, %arg29: memref<!tpu.dma_semaphore, #tpu.memory_space<semaphore_mem>>, %arg30: memref<!tpu.dma_semaphore, #tpu.memory_space<semaphore_mem>>) attributes {dimension_semantics = [#tpu.dimension_semantics<core_parallel>, #tpu.dimension_semantics<subcore_parallel>], iteration_bounds = array<i64: 2, 16>, scalar_prefetch = 0 : i64, scratch_operands = 20 : i64, tpu.core_type = #tpu.core_type<sc_vector_subcore>, window_params = [{transform_indices = #map}, {transform_indices = #map}, {transform_indices = #map}, {transform_indices = #map}, {transform_indices = #map1}, {transform_indices = #map1}, {transform_indices = #map1}, {transform_indices = #map1}, {transform_indices = #map2}]} {
    %scan3A = arith.constant 0 : i32
    %scan3A_0 = arith.constant 128 : i32
    %scan3A_1 = arith.addi %scan3A, %scan3A_0 : i32
    %scan3A_2 = arith.constant 1 : i32
    scf.for %scan3A_61 = %scan3A to %scan3A_1 step %scan3A_2  : i32 {
      %broadcast_in_dim3A = arith.constant 0.000000e+00 : f32
      %broadcast_in_dim3A_62 = vector.broadcast %broadcast_in_dim3A : f32 to vector<16xf32>
      %swap3A = arith.index_cast %scan3A_61 : i32 to index
      %swap3A_63 = arith.constant 0 : index
      %swap3A_64 = tpu.vector_load %arg16[%swap3A, %swap3A_63] {strides = array<i32>} : memref<128x80xf32, #tpu.memory_space<vmem>>, vector<1x16xf32>,
      %swap3A_65 = vector.shape_cast %swap3A_64 : vector<1x16xf32> to vector<16xf32>
      %swap3A_66 = vector.shape_cast %broadcast_in_dim3A_62 : vector<16xf32> to vector<1x16xf32>
      tpu.vector_store %arg16[%swap3A, %swap3A_63], %swap3A_66 {strides = array<i32>} : memref<128x80xf32, #tpu.memory_space<vmem>>, vector<1x16xf32>,
      %broadcast_in_dim3A_67 = arith.constant 0.000000e+00 : f32
      %broadcast_in_dim3A_68 = vector.broadcast %broadcast_in_dim3A_67 : f32 to vector<16xf32>
      %swap3A_69 = arith.index_cast %scan3A_61 : i32 to index
      %swap3A_70 = arith.constant 16 : index
      %swap3A_71 = tpu.vector_load %arg16[%swap3A_69, %swap3A_70] {strides = array<i32>} : memref<128x80xf32, #tpu.memory_space<vmem>>, vector<1x16xf32>,
      %swap3A_72 = vector.shape_cast %swap3A_71 : vector<1x16xf32> to vector<16xf32>
      %swap3A_73 = vector.shape_cast %broadcast_in_dim3A_68 : vector<16xf32> to vector<1x16xf32>
      tpu.vector_store %arg16[%swap3A_69, %swap3A_70], %swap3A_73 {strides = array<i32>} : memref<128x80xf32, #tpu.memory_space<vmem>>, vector<1x16xf32>,
      %broadcast_in_dim3A_74 = arith.constant 0.000000e+00 : f32
      %broadcast_in_dim3A_75 = vector.broadcast %broadcast_in_dim3A_74 : f32 to vector<16xf32>
      %swap3A_76 = arith.index_cast %scan3A_61 : i32 to index
      %swap3A_77 = arith.constant 32 : index
      %swap3A_78 = tpu.vector_load %arg16[%swap3A_76, %swap3A_77] {strides = array<i32>} : memref<128x80xf32, #tpu.memory_space<vmem>>, vector<1x16xf32>,
      %swap3A_79 = vector.shape_cast %swap3A_78 : vector<1x16xf32> to vector<16xf32>
      %swap3A_80 = vector.shape_cast %broadcast_in_dim3A_75 : vector<16xf32> to vector<1x16xf32>
      tpu.vector_store %arg16[%swap3A_76, %swap3A_77], %swap3A_80 {strides = array<i32>} : memref<128x80xf32, #tpu.memory_space<vmem>>, vector<1x16xf32>,
      %broadcast_in_dim3A_81 = arith.constant 0.000000e+00 : f32
      %broadcast_in_dim3A_82 = vector.broadcast %broadcast_in_dim3A_81 : f32 to vector<16xf32>
      %swap3A_83 = arith.index_cast %scan3A_61 : i32 to index
      %swap3A_84 = arith.constant 48 : index
      %swap3A_85 = tpu.vector_load %arg16[%swap3A_83, %swap3A_84] {strides = array<i32>} : memref<128x80xf32, #tpu.memory_space<vmem>>, vector<1x16xf32>,
      %swap3A_86 = vector.shape_cast %swap3A_85 : vector<1x16xf32> to vector<16xf32>
      %swap3A_87 = vector.shape_cast %broadcast_in_dim3A_82 : vector<16xf32> to vector<1x16xf32>
      tpu.vector_store %arg16[%swap3A_83, %swap3A_84], %swap3A_87 {strides = array<i32>} : memref<128x80xf32, #tpu.memory_space<vmem>>, vector<1x16xf32>,
      %broadcast_in_dim3A_88 = arith.constant 0.000000e+00 : f32
      %broadcast_in_dim3A_89 = vector.broadcast %broadcast_in_dim3A_88 : f32 to vector<16xf32>
      %swap3A_90 = arith.index_cast %scan3A_61 : i32 to index
      %swap3A_91 = arith.constant 64 : index
      %swap3A_92 = tpu.vector_load %arg16[%swap3A_90, %swap3A_91] {strides = array<i32>} : memref<128x80xf32, #tpu.memory_space<vmem>>, vector<1x16xf32>,
      %swap3A_93 = vector.shape_cast %swap3A_92 : vector<1x16xf32> to vector<16xf32>
      %swap3A_94 = vector.shape_cast %broadcast_in_dim3A_89 : vector<16xf32> to vector<1x16xf32>
      tpu.vector_store %arg16[%swap3A_90, %swap3A_91], %swap3A_94 {strides = array<i32>} : memref<128x80xf32, #tpu.memory_space<vmem>>, vector<1x16xf32>,
    }
    %scan3A_3 = arith.constant 128 : i32
    %mul3A = arith.constant 626 : i32
    %mul3A_4 = arith.muli %arg1, %mul3A : i32
    %add3A = arith.constant 0 : i32
    %add3A_5 = arith.addi %mul3A_4, %add3A : i32
    "tpu.region"() ({
      %run_scoped3A = tpu.sem_alloc : memref<!tpu.dma_semaphore, #tpu.memory_space<semaphore_mem>>
      %dma_start3A_61 = arith.constant 0 : i32
      %dma_start3A_62 = tpu.memref_slice %arg18[%add3A_5, %dma_start3A_61] : memref<10016x80xf32, #tpu.memory_space<vmem_shared>> -> memref<128x80xf32, #tpu.memory_space<vmem_shared>>
      %dma_start3A_63 = arith.constant 0 : i32
      %dma_start3A_64 = tpu.memref_slice %arg18[%add3A_5, %dma_start3A_63] : memref<10016x80xf32, #tpu.memory_space<vmem_shared>> -> memref<128x80xf32, #tpu.memory_space<vmem_shared>>
      tpu.enqueue_dma source(%arg16 : memref<128x80xf32, #tpu.memory_space<vmem>>) target(%dma_start3A_64 : memref<128x80xf32, #tpu.memory_space<vmem_shared>>) target_semaphore(%run_scoped3A : memref<!tpu.dma_semaphore, #tpu.memory_space<semaphore_mem>>)
      %dma_wait3A_65 = arith.constant 0 : i32
      %dma_wait3A_66 = tpu.memref_slice %arg18[%add3A_5, %dma_wait3A_65] : memref<10016x80xf32, #tpu.memory_space<vmem_shared>> -> memref<128x80xf32, #tpu.memory_space<vmem_shared>>
      %dma_wait3A_67 = arith.constant 0 : i32
      %dma_wait3A_68 = tpu.memref_slice %arg18[%add3A_5, %dma_wait3A_67] : memref<10016x80xf32, #tpu.memory_space<vmem_shared>> -> memref<128x80xf32, #tpu.memory_space<vmem_shared>>
      tpu.wait_dma2 semaphore(%run_scoped3A : memref<!tpu.dma_semaphore, #tpu.memory_space<semaphore_mem>>) src(%arg16 : memref<128x80xf32, #tpu.memory_space<vmem>>) dst(%dma_wait3A_68 : memref<128x80xf32, #tpu.memory_space<vmem_shared>>)
      tpu.yield
    }) : () -> ()
    %add3A_6 = arith.constant 128 : i32
    %add3A_7 = arith.addi %mul3A_4, %add3A_6 : i32
    "tpu.region"() ({
      %run_scoped3A = tpu.sem_alloc : memref<!tpu.dma_semaphore, #tpu.memory_space<semaphore_mem>>
      %dma_start3A_61 = arith.constant 0 : i32
      %dma_start3A_62 = tpu.memref_slice %arg18[%add3A_7, %dma_start3A_61] : memref<10016x80xf32, #tpu.memory_space<vmem_shared>> -> memref<128x80xf32, #tpu.memory_space<vmem_shared>>
      %dma_start3A_63 = arith.constant 0 : i32
      %dma_start3A_64 = tpu.memref_slice %arg18[%add3A_7, %dma_start3A_63] : memref<10016x80xf32, #tpu.memory_space<vmem_shared>> -> memref<128x80xf32, #tpu.memory_space<vmem_shared>>
      tpu.enqueue_dma source(%arg16 : memref<128x80xf32, #tpu.memory_space<vmem>>) target(%dma_start3A_64 : memref<128x80xf32, #tpu.memory_space<vmem_shared>>) target_semaphore(%run_scoped3A : memref<!tpu.dma_semaphore, #tpu.memory_space<semaphore_mem>>)
      %dma_wait3A_65 = arith.constant 0 : i32
      %dma_wait3A_66 = tpu.memref_slice %arg18[%add3A_7, %dma_wait3A_65] : memref<10016x80xf32, #tpu.memory_space<vmem_shared>> -> memref<128x80xf32, #tpu.memory_space<vmem_shared>>
      %dma_wait3A_67 = arith.constant 0 : i32
      %dma_wait3A_68 = tpu.memref_slice %arg18[%add3A_7, %dma_wait3A_67] : memref<10016x80xf32, #tpu.memory_space<vmem_shared>> -> memref<128x80xf32, #tpu.memory_space<vmem_shared>>
      tpu.wait_dma2 semaphore(%run_scoped3A : memref<!tpu.dma_semaphore, #tpu.memory_space<semaphore_mem>>) src(%arg16 : memref<128x80xf32, #tpu.memory_space<vmem>>) dst(%dma_wait3A_68 : memref<128x80xf32, #tpu.memory_space<vmem_shared>>)
      tpu.yield
    }) : () -> ()
    %add3A_8 = arith.constant 256 : i32
    %add3A_9 = arith.addi %mul3A_4, %add3A_8 : i32
    "tpu.region"() ({
      %run_scoped3A = tpu.sem_alloc : memref<!tpu.dma_semaphore, #tpu.memory_space<semaphore_mem>>
      %dma_start3A_61 = arith.constant 0 : i32
      %dma_start3A_62 = tpu.memref_slice %arg18[%add3A_9, %dma_start3A_61] : memref<10016x80xf32, #tpu.memory_space<vmem_shared>> -> memref<128x80xf32, #tpu.memory_space<vmem_shared>>
      %dma_start3A_63 = arith.constant 0 : i32
      %dma_start3A_64 = tpu.memref_slice %arg18[%add3A_9, %dma_start3A_63] : memref<10016x80xf32, #tpu.memory_space<vmem_shared>> -> memref<128x80xf32, #tpu.memory_space<vmem_shared>>
      tpu.enqueue_dma source(%arg16 : memref<128x80xf32, #tpu.memory_space<vmem>>) target(%dma_start3A_64 : memref<128x80xf32, #tpu.memory_space<vmem_shared>>) target_semaphore(%run_scoped3A : memref<!tpu.dma_semaphore, #tpu.memory_space<semaphore_mem>>)
      %dma_wait3A_65 = arith.constant 0 : i32
      %dma_wait3A_66 = tpu.memref_slice %arg18[%add3A_9, %dma_wait3A_65] : memref<10016x80xf32, #tpu.memory_space<vmem_shared>> -> memref<128x80xf32, #tpu.memory_space<vmem_shared>>
      %dma_wait3A_67 = arith.constant 0 : i32
      %dma_wait3A_68 = tpu.memref_slice %arg18[%add3A_9, %dma_wait3A_67] : memref<10016x80xf32, #tpu.memory_space<vmem_shared>> -> memref<128x80xf32, #tpu.memory_space<vmem_shared>>
      tpu.wait_dma2 semaphore(%run_scoped3A : memref<!tpu.dma_semaphore, #tpu.memory_space<semaphore_mem>>) src(%arg16 : memref<128x80xf32, #tpu.memory_space<vmem>>) dst(%dma_wait3A_68 : memref<128x80xf32, #tpu.memory_space<vmem_shared>>)
      tpu.yield
    }) : () -> ()
    %add3A_10 = arith.constant 384 : i32
    %add3A_11 = arith.addi %mul3A_4, %add3A_10 : i32
    "tpu.region"() ({
      %run_scoped3A = tpu.sem_alloc : memref<!tpu.dma_semaphore, #tpu.memory_space<semaphore_mem>>
      %dma_start3A_61 = arith.constant 0 : i32
      %dma_start3A_62 = tpu.memref_slice %arg18[%add3A_11, %dma_start3A_61] : memref<10016x80xf32, #tpu.memory_space<vmem_shared>> -> memref<128x80xf32, #tpu.memory_space<vmem_shared>>
      %dma_start3A_63 = arith.constant 0 : i32
      %dma_start3A_64 = tpu.memref_slice %arg18[%add3A_11, %dma_start3A_63] : memref<10016x80xf32, #tpu.memory_space<vmem_shared>> -> memref<128x80xf32, #tpu.memory_space<vmem_shared>>
      tpu.enqueue_dma source(%arg16 : memref<128x80xf32, #tpu.memory_space<vmem>>) target(%dma_start3A_64 : memref<128x80xf32, #tpu.memory_space<vmem_shared>>) target_semaphore(%run_scoped3A : memref<!tpu.dma_semaphore, #tpu.memory_space<semaphore_mem>>)
      %dma_wait3A_65 = arith.constant 0 : i32
      %dma_wait3A_66 = tpu.memref_slice %arg18[%add3A_11, %dma_wait3A_65] : memref<10016x80xf32, #tpu.memory_space<vmem_shared>> -> memref<128x80xf32, #tpu.memory_space<vmem_shared>>
      %dma_wait3A_67 = arith.constant 0 : i32
      %dma_wait3A_68 = tpu.memref_slice %arg18[%add3A_11, %dma_wait3A_67] : memref<10016x80xf32, #tpu.memory_space<vmem_shared>> -> memref<128x80xf32, #tpu.memory_space<vmem_shared>>
      tpu.wait_dma2 semaphore(%run_scoped3A : memref<!tpu.dma_semaphore, #tpu.memory_space<semaphore_mem>>) src(%arg16 : memref<128x80xf32, #tpu.memory_space<vmem>>) dst(%dma_wait3A_68 : memref<128x80xf32, #tpu.memory_space<vmem_shared>>)
      tpu.yield
    }) : () -> ()
    %add3A_12 = arith.constant 512 : i32
    %add3A_13 = arith.addi %mul3A_4, %add3A_12 : i32
    "tpu.region"() ({
      %run_scoped3A = tpu.sem_alloc : memref<!tpu.dma_semaphore, #tpu.memory_space<semaphore_mem>>
      %dma_start3A_61 = arith.constant 0 : i32
      %dma_start3A_62 = arith.constant 0 : i32
      %dma_start3A_63 = tpu.memref_slice %arg16[%dma_start3A_61, %dma_start3A_62] : memref<128x80xf32, #tpu.memory_space<vmem>> -> memref<114x80xf32, #tpu.memory_space<vmem>>
      %dma_start3A_64 = arith.constant 0 : i32
      %dma_start3A_65 = tpu.memref_slice %arg18[%add3A_13, %dma_start3A_64] : memref<10016x80xf32, #tpu.memory_space<vmem_shared>> -> memref<114x80xf32, #tpu.memory_space<vmem_shared>>
      %dma_start3A_66 = arith.constant 0 : i32
      %dma_start3A_67 = tpu.memref_slice %arg18[%add3A_13, %dma_start3A_66] : memref<10016x80xf32, #tpu.memory_space<vmem_shared>> -> memref<114x80xf32, #tpu.memory_space<vmem_shared>>
      %dma_start3A_68 = arith.constant 0 : i32
      %dma_start3A_69 = arith.constant 0 : i32
      %dma_start3A_70 = tpu.memref_slice %arg16[%dma_start3A_68, %dma_start3A_69] : memref<128x80xf32, #tpu.memory_space<vmem>> -> memref<114x80xf32, #tpu.memory_space<vmem>>
      tpu.enqueue_dma source(%dma_start3A_70 : memref<114x80xf32, #tpu.memory_space<vmem>>) target(%dma_start3A_67 : memref<114x80xf32, #tpu.memory_space<vmem_shared>>) target_semaphore(%run_scoped3A : memref<!tpu.dma_semaphore, #tpu.memory_space<semaphore_mem>>)
      %dma_wait3A_71 = arith.constant 0 : i32
      %dma_wait3A_72 = arith.constant 0 : i32
      %dma_wait3A_73 = tpu.memref_slice %arg16[%dma_wait3A_71, %dma_wait3A_72] : memref<128x80xf32, #tpu.memory_space<vmem>> -> memref<114x80xf32, #tpu.memory_space<vmem>>
      %dma_wait3A_74 = arith.constant 0 : i32
      %dma_wait3A_75 = tpu.memref_slice %arg18[%add3A_13, %dma_wait3A_74] : memref<10016x80xf32, #tpu.memory_space<vmem_shared>> -> memref<114x80xf32, #tpu.memory_space<vmem_shared>>
      %dma_wait3A_76 = arith.constant 0 : i32
      %dma_wait3A_77 = tpu.memref_slice %arg18[%add3A_13, %dma_wait3A_76] : memref<10016x80xf32, #tpu.memory_space<vmem_shared>> -> memref<114x80xf32, #tpu.memory_space<vmem_shared>>
      %dma_wait3A_78 = arith.constant 0 : i32
      %dma_wait3A_79 = arith.constant 0 : i32
      %dma_wait3A_80 = tpu.memref_slice %arg16[%dma_wait3A_78, %dma_wait3A_79] : memref<128x80xf32, #tpu.memory_space<vmem>> -> memref<114x80xf32, #tpu.memory_space<vmem>>
      tpu.wait_dma2 semaphore(%run_scoped3A : memref<!tpu.dma_semaphore, #tpu.memory_space<semaphore_mem>>) src(%dma_wait3A_80 : memref<114x80xf32, #tpu.memory_space<vmem>>) dst(%dma_wait3A_77 : memref<114x80xf32, #tpu.memory_space<vmem_shared>>)
      tpu.yield
    }) : () -> ()
    "tpu.region"() ({
      %run_scoped3A = tpu.sem_alloc : memref<!tpu.dma_semaphore, #tpu.memory_space<semaphore_mem>>
      tpu.enqueue_dma source(%arg9 : memref<128xf32, #tpu.memory_space<hbm>>) target(%arg17 : memref<128xf32, #tpu.memory_space<vmem>>) target_semaphore(%run_scoped3A : memref<!tpu.dma_semaphore, #tpu.memory_space<semaphore_mem>>)
      tpu.wait_dma2 semaphore(%run_scoped3A : memref<!tpu.dma_semaphore, #tpu.memory_space<semaphore_mem>>) src(%arg9 : memref<128xf32, #tpu.memory_space<hbm>>) dst(%arg17 : memref<128xf32, #tpu.memory_space<vmem>>)
      tpu.yield
    }) : () -> ()
    %barrier3A = arith.constant 0 : index
    tpu.barrier barrier_id(%barrier3A)
    %mul3A_14 = arith.constant 20736 : i32
    %mul3A_15 = arith.muli %arg1, %mul3A_14 : i32
    %add3A_16 = arith.constant 0 : i32
    %add3A_17 = arith.addi %mul3A_15, %add3A_16 : i32
    %dma_start3A = tpu.memref_slice %arg6[%add3A_17] : memref<331776xi32, #tpu.memory_space<hbm>> -> memref<128xi32, #tpu.memory_space<hbm>>
    %dma_start3A_18 = tpu.memref_slice %arg6[%add3A_17] : memref<331776xi32, #tpu.memory_space<hbm>> -> memref<128xi32, #tpu.memory_space<hbm>>
    tpu.enqueue_dma source(%dma_start3A_18 : memref<128xi32, #tpu.memory_space<hbm>>) target(%arg11 : memref<128xi32, #tpu.memory_space<vmem>>) target_semaphore(%arg28 : memref<!tpu.dma_semaphore, #tpu.memory_space<semaphore_mem>>)
    %dma_start3A_19 = tpu.memref_slice %arg7[%add3A_17] : memref<331776xi32, #tpu.memory_space<hbm>> -> memref<128xi32, #tpu.memory_space<hbm>>
    %dma_start3A_20 = tpu.memref_slice %arg7[%add3A_17] : memref<331776xi32, #tpu.memory_space<hbm>> -> memref<128xi32, #tpu.memory_space<hbm>>
    tpu.enqueue_dma source(%dma_start3A_20 : memref<128xi32, #tpu.memory_space<hbm>>) target(%arg12 : memref<128xi32, #tpu.memory_space<vmem>>) target_semaphore(%arg28 : memref<!tpu.dma_semaphore, #tpu.memory_space<semaphore_mem>>)
    %dma_start3A_21 = tpu.memref_slice %arg8[%add3A_17] : memref<331776xi32, #tpu.memory_space<hbm>> -> memref<128xi32, #tpu.memory_space<hbm>>
    %dma_start3A_22 = tpu.memref_slice %arg8[%add3A_17] : memref<331776xi32, #tpu.memory_space<hbm>> -> memref<128xi32, #tpu.memory_space<hbm>>
    tpu.enqueue_dma source(%dma_start3A_22 : memref<128xi32, #tpu.memory_space<hbm>>) target(%arg25 : memref<128xi32, #tpu.memory_space<vmem>>) target_semaphore(%arg28 : memref<!tpu.dma_semaphore, #tpu.memory_space<semaphore_mem>>)
    %dma_wait3A = arith.constant 0 : i32
    %dma_wait3A_23 = tpu.memref_slice %arg6[%dma_wait3A] : memref<331776xi32, #tpu.memory_space<hbm>> -> memref<128xi32, #tpu.memory_space<hbm>>
    %dma_wait3A_24 = arith.constant 0 : i32
    %dma_wait3A_25 = tpu.memref_slice %arg6[%dma_wait3A_24] : memref<331776xi32, #tpu.memory_space<hbm>> -> memref<128xi32, #tpu.memory_space<hbm>>
    tpu.wait_dma2 semaphore(%arg28 : memref<!tpu.dma_semaphore, #tpu.memory_space<semaphore_mem>>) src(%dma_wait3A_25 : memref<128xi32, #tpu.memory_space<hbm>>) dst(%arg11 : memref<128xi32, #tpu.memory_space<vmem>>)
    %dma_wait3A_26 = arith.constant 0 : i32
    %dma_wait3A_27 = tpu.memref_slice %arg6[%dma_wait3A_26] : memref<331776xi32, #tpu.memory_space<hbm>> -> memref<128xi32, #tpu.memory_space<hbm>>
    %dma_wait3A_28 = arith.constant 0 : i32
    %dma_wait3A_29 = tpu.memref_slice %arg6[%dma_wait3A_28] : memref<331776xi32, #tpu.memory_space<hbm>> -> memref<128xi32, #tpu.memory_space<hbm>>
    tpu.wait_dma2 semaphore(%arg28 : memref<!tpu.dma_semaphore, #tpu.memory_space<semaphore_mem>>) src(%dma_wait3A_29 : memref<128xi32, #tpu.memory_space<hbm>>) dst(%arg12 : memref<128xi32, #tpu.memory_space<vmem>>)
    %dma_wait3A_30 = arith.constant 0 : i32
    %dma_wait3A_31 = tpu.memref_slice %arg6[%dma_wait3A_30] : memref<331776xi32, #tpu.memory_space<hbm>> -> memref<128xi32, #tpu.memory_space<hbm>>
    %dma_wait3A_32 = arith.constant 0 : i32
    %dma_wait3A_33 = tpu.memref_slice %arg6[%dma_wait3A_32] : memref<331776xi32, #tpu.memory_space<hbm>> -> memref<128xi32, #tpu.memory_space<hbm>>
    tpu.wait_dma2 semaphore(%arg28 : memref<!tpu.dma_semaphore, #tpu.memory_space<semaphore_mem>>) src(%dma_wait3A_33 : memref<128xi32, #tpu.memory_space<hbm>>) dst(%arg25 : memref<128xi32, #tpu.memory_space<vmem>>)
    %eq3A = arith.constant 0 : i32
    %eq3A_34 = arith.cmpi eq, %arg0, %eq3A : i32
    %convert_element_type3A = arith.extui %eq3A_34 : i1 to i32
    %cond3A = arith.constant 0 : i32
    %cond3A_35 = arith.cmpi ne, %convert_element_type3A, %cond3A : i32
    scf.if %cond3A_35 {
      %dma_start3A_61 = arith.constant 0 : i32
      %dma_start3A_62 = arith.constant 0 : i32
      %dma_start3A_63 = tpu.memref_slice %arg2[%dma_start3A_61, %dma_start3A_62] : memref<10000x64xf32, #tpu.memory_space<hbm>> -> memref<10000x64xf32, #tpu.memory_space<hbm>>
      tpu.enqueue_indirect_dma source(%dma_start3A_63 : memref<10000x64xf32, #tpu.memory_space<hbm>>) target(%arg14 : memref<128x64xf32, #tpu.memory_space<vmem>>) offsets(%arg11 : memref<128xi32, #tpu.memory_space<vmem>>) semaphore(%arg27 : memref<!tpu.dma_semaphore, #tpu.memory_space<semaphore_mem>>)
      %dma_start3A_64 = arith.constant 0 : i32
      %dma_start3A_65 = arith.constant 0 : i32
      %dma_start3A_66 = tpu.memref_slice %arg4[%dma_start3A_64, %dma_start3A_65] : memref<10000x64xf32, #tpu.memory_space<hbm>> -> memref<10000x64xf32, #tpu.memory_space<hbm>>
      tpu.enqueue_indirect_dma source(%dma_start3A_66 : memref<10000x64xf32, #tpu.memory_space<hbm>>) target(%arg15 : memref<128x64xf32, #tpu.memory_space<vmem>>) offsets(%arg12 : memref<128xi32, #tpu.memory_space<vmem>>) semaphore(%arg27 : memref<!tpu.dma_semaphore, #tpu.memory_space<semaphore_mem>>)
    } else {
    }
    %eq3A_36 = arith.constant 1 : i32
    %eq3A_37 = arith.cmpi eq, %arg0, %eq3A_36 : i32
    %convert_element_type3A_38 = arith.extui %eq3A_37 : i1 to i32
    %cond3A_39 = arith.constant 0 : i32
    %cond3A_40 = arith.cmpi ne, %convert_element_type3A_38, %cond3A_39 : i32
    scf.if %cond3A_40 {
      %dma_start3A_61 = arith.constant 0 : i32
      %dma_start3A_62 = arith.constant 0 : i32
      %dma_start3A_63 = tpu.memref_slice %arg3[%dma_start3A_61, %dma_start3A_62] : memref<10000x64xf32, #tpu.memory_space<hbm>> -> memref<10000x64xf32, #tpu.memory_space<hbm>>
      tpu.enqueue_indirect_dma source(%dma_start3A_63 : memref<10000x64xf32, #tpu.memory_space<hbm>>) target(%arg14 : memref<128x64xf32, #tpu.memory_space<vmem>>) offsets(%arg11 : memref<128xi32, #tpu.memory_space<vmem>>) semaphore(%arg27 : memref<!tpu.dma_semaphore, #tpu.memory_space<semaphore_mem>>)
      %dma_start3A_64 = arith.constant 0 : i32
      %dma_start3A_65 = arith.constant 0 : i32
      %dma_start3A_66 = tpu.memref_slice %arg5[%dma_start3A_64, %dma_start3A_65] : memref<10000x64xf32, #tpu.memory_space<hbm>> -> memref<10000x64xf32, #tpu.memory_space<hbm>>
      tpu.enqueue_indirect_dma source(%dma_start3A_66 : memref<10000x64xf32, #tpu.memory_space<hbm>>) target(%arg15 : memref<128x64xf32, #tpu.memory_space<vmem>>) offsets(%arg12 : memref<128xi32, #tpu.memory_space<vmem>>) semaphore(%arg27 : memref<!tpu.dma_semaphore, #tpu.memory_space<semaphore_mem>>)
    } else {
    }
    %add3A_41 = arith.constant 128 : i32
    %add3A_42 = arith.addi %mul3A_15, %add3A_41 : i32
    %dma_start3A_43 = tpu.memref_slice %arg6[%add3A_42] : memref<331776xi32, #tpu.memory_space<hbm>> -> memref<128xi32, #tpu.memory_space<hbm>>
    %dma_start3A_44 = tpu.memref_slice %arg6[%add3A_42] : memref<331776xi32, #tpu.memory_space<hbm>> -> memref<128xi32, #tpu.memory_space<hbm>>
    tpu.enqueue_dma source(%dma_start3A_44 : memref<128xi32, #tpu.memory_space<hbm>>) target(%arg19 : memref<128xi32, #tpu.memory_space<vmem>>) target_semaphore(%arg28 : memref<!tpu.dma_semaphore, #tpu.memory_space<semaphore_mem>>)
    %dma_start3A_45 = tpu.memref_slice %arg7[%add3A_42] : memref<331776xi32, #tpu.memory_space<hbm>> -> memref<128xi32, #tpu.memory_space<hbm>>
    %dma_start3A_46 = tpu.memref_slice %arg7[%add3A_42] : memref<331776xi32, #tpu.memory_space<hbm>> -> memref<128xi32, #tpu.memory_space<hbm>>
    tpu.enqueue_dma source(%dma_start3A_46 : memref<128xi32, #tpu.memory_space<hbm>>) target(%arg20 : memref<128xi32, #tpu.memory_space<vmem>>) target_semaphore(%arg28 : memref<!tpu.dma_semaphore, #tpu.memory_space<semaphore_mem>>)
    %dma_start3A_47 = tpu.memref_slice %arg8[%add3A_42] : memref<331776xi32, #tpu.memory_space<hbm>> -> memref<128xi32, #tpu.memory_space<hbm>>
    %dma_start3A_48 = tpu.memref_slice %arg8[%add3A_42] : memref<331776xi32, #tpu.memory_space<hbm>> -> memref<128xi32, #tpu.memory_space<hbm>>
    tpu.enqueue_dma source(%dma_start3A_48 : memref<128xi32, #tpu.memory_space<hbm>>) target(%arg26 : memref<128xi32, #tpu.memory_space<vmem>>) target_semaphore(%arg28 : memref<!tpu.dma_semaphore, #tpu.memory_space<semaphore_mem>>)
    %scan3A_49 = arith.constant 0 : i32
    %scan3A_50 = arith.constant 81 : i32
    %scan3A_51 = arith.addi %scan3A_49, %scan3A_50 : i32
    %scan3A_52 = arith.constant 1 : i32
    scf.for %scan3A_61 = %scan3A_49 to %scan3A_51 step %scan3A_52  : i32 {
      %mul3A_62 = arith.constant 2 : i32
      %mul3A_63 = arith.muli %mul3A_62, %scan3A_61 : i32
      %add3A_64 = arith.constant 0 : i32
      %add3A_65 = arith.addi %mul3A_63, %add3A_64 : i32
      %add3A_66 = arith.constant 1 : i32
      %add3A_67 = arith.addi %add3A_65, %add3A_66 : i32
      %lt3A = arith.constant 162 : i32
      %lt3A_68 = arith.cmpi slt, %add3A_67, %lt3A : i32
      %convert_element_type3A_69 = arith.extui %lt3A_68 : i1 to i32
      %cond3A_70 = arith.constant 0 : i32
      %cond3A_71 = arith.cmpi ne, %convert_element_type3A_69, %cond3A_70 : i32
      scf.if %cond3A_71 {
        %dma_wait3A_151 = arith.constant 0 : i32
        %dma_wait3A_152 = tpu.memref_slice %arg6[%dma_wait3A_151] : memref<331776xi32, #tpu.memory_space<hbm>> -> memref<128xi32, #tpu.memory_space<hbm>>
        %dma_wait3A_153 = arith.constant 0 : i32
        %dma_wait3A_154 = tpu.memref_slice %arg6[%dma_wait3A_153] : memref<331776xi32, #tpu.memory_space<hbm>> -> memref<128xi32, #tpu.memory_space<hbm>>
        tpu.wait_dma2 semaphore(%arg28 : memref<!tpu.dma_semaphore, #tpu.memory_space<semaphore_mem>>) src(%dma_wait3A_154 : memref<128xi32, #tpu.memory_space<hbm>>) dst(%arg19 : memref<128xi32, #tpu.memory_space<vmem>>)
        %dma_wait3A_155 = arith.constant 0 : i32
        %dma_wait3A_156 = tpu.memref_slice %arg6[%dma_wait3A_155] : memref<331776xi32, #tpu.memory_space<hbm>> -> memref<128xi32, #tpu.memory_space<hbm>>
        %dma_wait3A_157 = arith.constant 0 : i32
        %dma_wait3A_158 = tpu.memref_slice %arg6[%dma_wait3A_157] : memref<331776xi32, #tpu.memory_space<hbm>> -> memref<128xi32, #tpu.memory_space<hbm>>
        tpu.wait_dma2 semaphore(%arg28 : memref<!tpu.dma_semaphore, #tpu.memory_space<semaphore_mem>>) src(%dma_wait3A_158 : memref<128xi32, #tpu.memory_space<hbm>>) dst(%arg20 : memref<128xi32, #tpu.memory_space<vmem>>)
        %dma_wait3A_159 = arith.constant 0 : i32
        %dma_wait3A_160 = tpu.memref_slice %arg6[%dma_wait3A_159] : memref<331776xi32, #tpu.memory_space<hbm>> -> memref<128xi32, #tpu.memory_space<hbm>>
        %dma_wait3A_161 = arith.constant 0 : i32
        %dma_wait3A_162 = tpu.memref_slice %arg6[%dma_wait3A_161] : memref<331776xi32, #tpu.memory_space<hbm>> -> memref<128xi32, #tpu.memory_space<hbm>>
        tpu.wait_dma2 semaphore(%arg28 : memref<!tpu.dma_semaphore, #tpu.memory_space<semaphore_mem>>) src(%dma_wait3A_162 : memref<128xi32, #tpu.memory_space<hbm>>) dst(%arg26 : memref<128xi32, #tpu.memory_space<vmem>>)
        %eq3A_163 = arith.constant 0 : i32
        %eq3A_164 = arith.cmpi eq, %arg0, %eq3A_163 : i32
        %convert_element_type3A_165 = arith.extui %eq3A_164 : i1 to i32
        %cond3A_166 = arith.constant 0 : i32
        %cond3A_167 = arith.cmpi ne, %convert_element_type3A_165, %cond3A_166 : i32
        scf.if %cond3A_167 {
          %dma_start3A_173 = arith.constant 0 : i32
          %dma_start3A_174 = arith.constant 0 : i32
          %dma_start3A_175 = tpu.memref_slice %arg2[%dma_start3A_173, %dma_start3A_174] : memref<10000x64xf32, #tpu.memory_space<hbm>> -> memref<10000x64xf32, #tpu.memory_space<hbm>>
          tpu.enqueue_indirect_dma source(%dma_start3A_175 : memref<10000x64xf32, #tpu.memory_space<hbm>>) target(%arg21 : memref<128x64xf32, #tpu.memory_space<vmem>>) offsets(%arg19 : memref<128xi32, #tpu.memory_space<vmem>>) semaphore(%arg27 : memref<!tpu.dma_semaphore, #tpu.memory_space<semaphore_mem>>)
          %dma_start3A_176 = arith.constant 0 : i32
          %dma_start3A_177 = arith.constant 0 : i32
          %dma_start3A_178 = tpu.memref_slice %arg4[%dma_start3A_176, %dma_start3A_177] : memref<10000x64xf32, #tpu.memory_space<hbm>> -> memref<10000x64xf32, #tpu.memory_space<hbm>>
          tpu.enqueue_indirect_dma source(%dma_start3A_178 : memref<10000x64xf32, #tpu.memory_space<hbm>>) target(%arg22 : memref<128x64xf32, #tpu.memory_space<vmem>>) offsets(%arg20 : memref<128xi32, #tpu.memory_space<vmem>>) semaphore(%arg27 : memref<!tpu.dma_semaphore, #tpu.memory_space<semaphore_mem>>)
        } else {
        }
        %eq3A_168 = arith.constant 1 : i32
        %eq3A_169 = arith.cmpi eq, %arg0, %eq3A_168 : i32
        %convert_element_type3A_170 = arith.extui %eq3A_169 : i1 to i32
        %cond3A_171 = arith.constant 0 : i32
        %cond3A_172 = arith.cmpi ne, %convert_element_type3A_170, %cond3A_171 : i32
        scf.if %cond3A_172 {
          %dma_start3A_173 = arith.constant 0 : i32
          %dma_start3A_174 = arith.constant 0 : i32
          %dma_start3A_175 = tpu.memref_slice %arg3[%dma_start3A_173, %dma_start3A_174] : memref<10000x64xf32, #tpu.memory_space<hbm>> -> memref<10000x64xf32, #tpu.memory_space<hbm>>
          tpu.enqueue_indirect_dma source(%dma_start3A_175 : memref<10000x64xf32, #tpu.memory_space<hbm>>) target(%arg21 : memref<128x64xf32, #tpu.memory_space<vmem>>) offsets(%arg19 : memref<128xi32, #tpu.memory_space<vmem>>) semaphore(%arg27 : memref<!tpu.dma_semaphore, #tpu.memory_space<semaphore_mem>>)
          %dma_start3A_176 = arith.constant 0 : i32
          %dma_start3A_177 = arith.constant 0 : i32
          %dma_start3A_178 = tpu.memref_slice %arg5[%dma_start3A_176, %dma_start3A_177] : memref<10000x64xf32, #tpu.memory_space<hbm>> -> memref<10000x64xf32, #tpu.memory_space<hbm>>
          tpu.enqueue_indirect_dma source(%dma_start3A_178 : memref<10000x64xf32, #tpu.memory_space<hbm>>) target(%arg22 : memref<128x64xf32, #tpu.memory_space<vmem>>) offsets(%arg20 : memref<128xi32, #tpu.memory_space<vmem>>) semaphore(%arg27 : memref<!tpu.dma_semaphore, #tpu.memory_space<semaphore_mem>>)
        } else {
        }
      } else {
      }
      %ge3A = arith.constant 2 : i32
      %ge3A_72 = arith.cmpi sge, %add3A_65, %ge3A : i32
      %convert_element_type3A_73 = arith.extui %ge3A_72 : i1 to i32
      %cond3A_74 = arith.constant 0 : i32
      %cond3A_75 = arith.cmpi ne, %convert_element_type3A_73, %cond3A_74 : i32
      scf.if %cond3A_75 {
        %dma_wait3A_151 = arith.constant 0 : i32
        %dma_wait3A_152 = arith.constant 0 : i32
        %dma_wait3A_153 = tpu.memref_slice %arg18[%dma_wait3A_151, %dma_wait3A_152] : memref<10016x80xf32, #tpu.memory_space<vmem_shared>> -> memref<10016x80xf32, #tpu.memory_space<vmem_shared>>
        tpu.wait_indirect_dma semaphore(%arg29 : memref<!tpu.dma_semaphore, #tpu.memory_space<semaphore_mem>>) src(%arg16 : memref<128x80xf32, #tpu.memory_space<vmem>>) dst(%dma_wait3A_153 : memref<10016x80xf32, #tpu.memory_space<vmem_shared>>)
      } else {
      }
      %dma_wait3A_76 = arith.constant 0 : i32
      %dma_wait3A_77 = arith.constant 0 : i32
      %dma_wait3A_78 = tpu.memref_slice %arg2[%dma_wait3A_76, %dma_wait3A_77] : memref<10000x64xf32, #tpu.memory_space<hbm>> -> memref<128x64xf32, #tpu.memory_space<hbm>>
      %dma_wait3A_79 = arith.constant 0 : i32
      %dma_wait3A_80 = arith.constant 0 : i32
      %dma_wait3A_81 = tpu.memref_slice %arg2[%dma_wait3A_79, %dma_wait3A_80] : memref<10000x64xf32, #tpu.memory_space<hbm>> -> memref<128x64xf32, #tpu.memory_space<hbm>>
      tpu.wait_dma2 semaphore(%arg27 : memref<!tpu.dma_semaphore, #tpu.memory_space<semaphore_mem>>) src(%dma_wait3A_81 : memref<128x64xf32, #tpu.memory_space<hbm>>) dst(%arg14 : memref<128x64xf32, #tpu.memory_space<vmem>>)
      %dma_wait3A_82 = arith.constant 0 : i32
      %dma_wait3A_83 = arith.constant 0 : i32
      %dma_wait3A_84 = tpu.memref_slice %arg2[%dma_wait3A_82, %dma_wait3A_83] : memref<10000x64xf32, #tpu.memory_space<hbm>> -> memref<128x64xf32, #tpu.memory_space<hbm>>
      %dma_wait3A_85 = arith.constant 0 : i32
      %dma_wait3A_86 = arith.constant 0 : i32
      %dma_wait3A_87 = tpu.memref_slice %arg2[%dma_wait3A_85, %dma_wait3A_86] : memref<10000x64xf32, #tpu.memory_space<hbm>> -> memref<128x64xf32, #tpu.memory_space<hbm>>
      tpu.wait_dma2 semaphore(%arg27 : memref<!tpu.dma_semaphore, #tpu.memory_space<semaphore_mem>>) src(%dma_wait3A_87 : memref<128x64xf32, #tpu.memory_space<hbm>>) dst(%arg15 : memref<128x64xf32, #tpu.memory_space<vmem>>)
      %scan3A_88 = arith.constant 0 : i32
      %scan3A_89 = arith.constant 8 : i32
      %scan3A_90 = arith.addi %scan3A_88, %scan3A_89 : i32
      %scan3A_91 = arith.constant 1 : i32
      scf.for %scan3A_151 = %scan3A_88 to %scan3A_90 step %scan3A_91  : i32 {
        %mul3A_152 = arith.constant 16 : i32
        %mul3A_153 = arith.muli %scan3A_151, %mul3A_152 : i32
        %get3A = arith.index_cast %mul3A_153 : i32 to index
        %get3A_154 = tpu.vector_load %arg25[%get3A] {strides = array<i32>} : memref<128xi32, #tpu.memory_space<vmem>>, vector<16xi32>,
        %get3A_155 = vector.shape_cast %get3A_154 : vector<16xi32> to vector<16xi32>
        %swap3A = arith.index_cast %mul3A_153 : i32 to index
        %swap3A_156 = tpu.vector_load %arg13[%swap3A] {strides = array<i32>} : memref<128xi32, #tpu.memory_space<vmem>>, vector<16xi32>,
        %swap3A_157 = vector.shape_cast %swap3A_156 : vector<16xi32> to vector<16xi32>
        %swap3A_158 = vector.shape_cast %get3A_155 : vector<16xi32> to vector<16xi32>
        tpu.vector_store %arg13[%swap3A], %swap3A_158 {strides = array<i32>} : memref<128xi32, #tpu.memory_space<vmem>>, vector<16xi32>,
      }
      %scan3A_92 = arith.constant 8 : i32
      %add3A_93 = arith.constant 2 : i32
      %add3A_94 = arith.addi %add3A_65, %add3A_93 : i32
      %lt3A_95 = arith.constant 162 : i32
      %lt3A_96 = arith.cmpi slt, %add3A_94, %lt3A_95 : i32
      %convert_element_type3A_97 = arith.extui %lt3A_96 : i1 to i32
      %cond3A_98 = arith.constant 0 : i32
      %cond3A_99 = arith.cmpi ne, %convert_element_type3A_97, %cond3A_98 : i32
      scf.if %cond3A_99 {
        %add3A_151 = arith.constant 2 : i32
        %add3A_152 = arith.addi %add3A_65, %add3A_151 : i32
        %mul3A_153 = arith.constant 128 : i32
        %mul3A_154 = arith.muli %add3A_152, %mul3A_153 : i32
        %add3A_155 = arith.addi %mul3A_15, %mul3A_154 : i32
        %dma_start3A_156 = tpu.memref_slice %arg6[%add3A_155] : memref<331776xi32, #tpu.memory_space<hbm>> -> memref<128xi32, #tpu.memory_space<hbm>>
        %dma_start3A_157 = tpu.memref_slice %arg6[%add3A_155] : memref<331776xi32, #tpu.memory_space<hbm>> -> memref<128xi32, #tpu.memory_space<hbm>>
        tpu.enqueue_dma source(%dma_start3A_157 : memref<128xi32, #tpu.memory_space<hbm>>) target(%arg11 : memref<128xi32, #tpu.memory_space<vmem>>) target_semaphore(%arg28 : memref<!tpu.dma_semaphore, #tpu.memory_space<semaphore_mem>>)
        %dma_start3A_158 = tpu.memref_slice %arg7[%add3A_155] : memref<331776xi32, #tpu.memory_space<hbm>> -> memref<128xi32, #tpu.memory_space<hbm>>
        %dma_start3A_159 = tpu.memref_slice %arg7[%add3A_155] : memref<331776xi32, #tpu.memory_space<hbm>> -> memref<128xi32, #tpu.memory_space<hbm>>
        tpu.enqueue_dma source(%dma_start3A_159 : memref<128xi32, #tpu.memory_space<hbm>>) target(%arg12 : memref<128xi32, #tpu.memory_space<vmem>>) target_semaphore(%arg28 : memref<!tpu.dma_semaphore, #tpu.memory_space<semaphore_mem>>)
        %dma_start3A_160 = tpu.memref_slice %arg8[%add3A_155] : memref<331776xi32, #tpu.memory_space<hbm>> -> memref<128xi32, #tpu.memory_space<hbm>>
        %dma_start3A_161 = tpu.memref_slice %arg8[%add3A_155] : memref<331776xi32, #tpu.memory_space<hbm>> -> memref<128xi32, #tpu.memory_space<hbm>>
        tpu.enqueue_dma source(%dma_start3A_161 : memref<128xi32, #tpu.memory_space<hbm>>) target(%arg25 : memref<128xi32, #tpu.memory_space<vmem>>) target_semaphore(%arg28 : memref<!tpu.dma_semaphore, #tpu.memory_space<semaphore_mem>>)
      } else {
      }
      %parallel_loop3A = arith.constant 0 : i32
      %parallel_loop3A_100 = arith.constant 128 : i32
      %parallel_loop3A_101 = arith.constant 1 : i32
      scf.for %parallel_loop3A_151 = %parallel_loop3A to %parallel_loop3A_100 step %parallel_loop3A_101  : i32 {
        %parallel_loop3A_152 = arith.index_cast %parallel_loop3A_151 : i32 to index
        %parallel_loop3A_153 = arith.constant 0 : index
        %parallel_loop3A_154 = tpu.vector_load %arg14[%parallel_loop3A_152, %parallel_loop3A_153] {strides = array<i32>} : memref<128x64xf32, #tpu.memory_space<vmem>>, vector<1x16xf32>,
        %parallel_loop3A_155 = vector.shape_cast %parallel_loop3A_154 : vector<1x16xf32> to vector<16xf32>
        %parallel_loop3A_156 = arith.index_cast %parallel_loop3A_151 : i32 to index
        %parallel_loop3A_157 = arith.constant 16 : index
        %parallel_loop3A_158 = tpu.vector_load %arg14[%parallel_loop3A_156, %parallel_loop3A_157] {strides = array<i32>} : memref<128x64xf32, #tpu.memory_space<vmem>>, vector<1x16xf32>,
        %parallel_loop3A_159 = vector.shape_cast %parallel_loop3A_158 : vector<1x16xf32> to vector<16xf32>
        %parallel_loop3A_160 = arith.index_cast %parallel_loop3A_151 : i32 to index
        %parallel_loop3A_161 = arith.constant 32 : index
        %parallel_loop3A_162 = tpu.vector_load %arg14[%parallel_loop3A_160, %parallel_loop3A_161] {strides = array<i32>} : memref<128x64xf32, #tpu.memory_space<vmem>>, vector<1x16xf32>,
        %parallel_loop3A_163 = vector.shape_cast %parallel_loop3A_162 : vector<1x16xf32> to vector<16xf32>
        %parallel_loop3A_164 = arith.index_cast %parallel_loop3A_151 : i32 to index
        %parallel_loop3A_165 = arith.constant 48 : index
        %parallel_loop3A_166 = tpu.vector_load %arg14[%parallel_loop3A_164, %parallel_loop3A_165] {strides = array<i32>} : memref<128x64xf32, #tpu.memory_space<vmem>>, vector<1x16xf32>,
        %parallel_loop3A_167 = vector.shape_cast %parallel_loop3A_166 : vector<1x16xf32> to vector<16xf32>
        %parallel_loop3A_168 = arith.constant 0.000000e+00 : f32
        %parallel_loop3A_169 = vector.broadcast %parallel_loop3A_168 : f32 to vector<16xf32>
        %parallel_loop3A_170 = arith.constant 2.000000e-01 : f32
        %parallel_loop3A_171 = vector.broadcast %parallel_loop3A_170 : f32 to vector<16xf32>
        %parallel_loop3A_172 = arith.constant 0.000000e+00 : f32
        %parallel_loop3A_173 = vector.broadcast %parallel_loop3A_172 : f32 to vector<16xf32>
        %parallel_loop3A_174 = arith.index_cast %parallel_loop3A_151 : i32 to index
        %parallel_loop3A_175 = arith.constant 0 : index
        %parallel_loop3A_176 = tpu.vector_load %arg15[%parallel_loop3A_174, %parallel_loop3A_175] {strides = array<i32>} : memref<128x64xf32, #tpu.memory_space<vmem>>, vector<1x16xf32>,
        %parallel_loop3A_177 = vector.shape_cast %parallel_loop3A_176 : vector<1x16xf32> to vector<16xf32>
        %parallel_loop3A_178 = arith.addf %parallel_loop3A_155, %parallel_loop3A_177 : vector<16xf32>
        %parallel_loop3A_179 = arith.maximumf %parallel_loop3A_178, %parallel_loop3A_169 : vector<16xf32>
        %parallel_loop3A_180 = arith.minimumf %parallel_loop3A_178, %parallel_loop3A_169 : vector<16xf32>
        %parallel_loop3A_181 = arith.mulf %parallel_loop3A_171, %parallel_loop3A_180 : vector<16xf32>
        %parallel_loop3A_182 = arith.addf %parallel_loop3A_179, %parallel_loop3A_181 : vector<16xf32>
        %parallel_loop3A_183 = arith.constant 64 : i32
        %parallel_loop3A_184 = arith.muli %arg0, %parallel_loop3A_183 : i32
        %parallel_loop3A_185 = arith.constant 0 : i32
        %parallel_loop3A_186 = arith.addi %parallel_loop3A_184, %parallel_loop3A_185 : i32
        %parallel_loop3A_187 = arith.index_cast %parallel_loop3A_186 : i32 to index
        %parallel_loop3A_188 = tpu.vector_load %arg17[%parallel_loop3A_187] {strides = array<i32>} : memref<128xf32, #tpu.memory_space<vmem>>, vector<16xf32>,
        %parallel_loop3A_189 = vector.shape_cast %parallel_loop3A_188 : vector<16xf32> to vector<16xf32>
        %parallel_loop3A_190 = arith.mulf %parallel_loop3A_182, %parallel_loop3A_189 : vector<16xf32>
        %parallel_loop3A_191 = arith.addf %parallel_loop3A_173, %parallel_loop3A_190 : vector<16xf32>
        %parallel_loop3A_192 = arith.index_cast %parallel_loop3A_151 : i32 to index
        %parallel_loop3A_193 = arith.constant 16 : index
        %parallel_loop3A_194 = tpu.vector_load %arg15[%parallel_loop3A_192, %parallel_loop3A_193] {strides = array<i32>} : memref<128x64xf32, #tpu.memory_space<vmem>>, vector<1x16xf32>,
        %parallel_loop3A_195 = vector.shape_cast %parallel_loop3A_194 : vector<1x16xf32> to vector<16xf32>
        %parallel_loop3A_196 = arith.addf %parallel_loop3A_159, %parallel_loop3A_195 : vector<16xf32>
        %parallel_loop3A_197 = arith.maximumf %parallel_loop3A_196, %parallel_loop3A_169 : vector<16xf32>
        %parallel_loop3A_198 = arith.minimumf %parallel_loop3A_196, %parallel_loop3A_169 : vector<16xf32>
        %parallel_loop3A_199 = arith.mulf %parallel_loop3A_171, %parallel_loop3A_198 : vector<16xf32>
        %parallel_loop3A_200 = arith.addf %parallel_loop3A_197, %parallel_loop3A_199 : vector<16xf32>
        %parallel_loop3A_201 = arith.constant 64 : i32
        %parallel_loop3A_202 = arith.muli %arg0, %parallel_loop3A_201 : i32
        %parallel_loop3A_203 = arith.constant 16 : i32
        %parallel_loop3A_204 = arith.addi %parallel_loop3A_202, %parallel_loop3A_203 : i32
        %parallel_loop3A_205 = arith.index_cast %parallel_loop3A_204 : i32 to index
        %parallel_loop3A_206 = tpu.vector_load %arg17[%parallel_loop3A_205] {strides = array<i32>} : memref<128xf32, #tpu.memory_space<vmem>>, vector<16xf32>,
        %parallel_loop3A_207 = vector.shape_cast %parallel_loop3A_206 : vector<16xf32> to vector<16xf32>
        %parallel_loop3A_208 = arith.mulf %parallel_loop3A_200, %parallel_loop3A_207 : vector<16xf32>
        %parallel_loop3A_209 = arith.addf %parallel_loop3A_191, %parallel_loop3A_208 : vector<16xf32>
        %parallel_loop3A_210 = arith.constant 0.000000e+00 : f32
        %parallel_loop3A_211 = vector.broadcast %parallel_loop3A_210 : f32 to vector<16xf32>
        %parallel_loop3A_212 = arith.index_cast %parallel_loop3A_151 : i32 to index
        %parallel_loop3A_213 = arith.constant 32 : index
        %parallel_loop3A_214 = tpu.vector_load %arg15[%parallel_loop3A_212, %parallel_loop3A_213] {strides = array<i32>} : memref<128x64xf32, #tpu.memory_space<vmem>>, vector<1x16xf32>,
        %parallel_loop3A_215 = vector.shape_cast %parallel_loop3A_214 : vector<1x16xf32> to vector<16xf32>
        %parallel_loop3A_216 = arith.addf %parallel_loop3A_163, %parallel_loop3A_215 : vector<16xf32>
        %parallel_loop3A_217 = arith.maximumf %parallel_loop3A_216, %parallel_loop3A_169 : vector<16xf32>
        %parallel_loop3A_218 = arith.minimumf %parallel_loop3A_216, %parallel_loop3A_169 : vector<16xf32>
        %parallel_loop3A_219 = arith.mulf %parallel_loop3A_171, %parallel_loop3A_218 : vector<16xf32>
        %parallel_loop3A_220 = arith.addf %parallel_loop3A_217, %parallel_loop3A_219 : vector<16xf32>
        %parallel_loop3A_221 = arith.constant 64 : i32
        %parallel_loop3A_222 = arith.muli %arg0, %parallel_loop3A_221 : i32
        %parallel_loop3A_223 = arith.constant 32 : i32
        %parallel_loop3A_224 = arith.addi %parallel_loop3A_222, %parallel_loop3A_223 : i32
        %parallel_loop3A_225 = arith.index_cast %parallel_loop3A_224 : i32 to index
        %parallel_loop3A_226 = tpu.vector_load %arg17[%parallel_loop3A_225] {strides = array<i32>} : memref<128xf32, #tpu.memory_space<vmem>>, vector<16xf32>,
        %parallel_loop3A_227 = vector.shape_cast %parallel_loop3A_226 : vector<16xf32> to vector<16xf32>
        %parallel_loop3A_228 = arith.mulf %parallel_loop3A_220, %parallel_loop3A_227 : vector<16xf32>
        %parallel_loop3A_229 = arith.addf %parallel_loop3A_211, %parallel_loop3A_228 : vector<16xf32>
        %parallel_loop3A_230 = arith.index_cast %parallel_loop3A_151 : i32 to index
        %parallel_loop3A_231 = arith.constant 48 : index
        %parallel_loop3A_232 = tpu.vector_load %arg15[%parallel_loop3A_230, %parallel_loop3A_231] {strides = array<i32>} : memref<128x64xf32, #tpu.memory_space<vmem>>, vector<1x16xf32>,
        %parallel_loop3A_233 = vector.shape_cast %parallel_loop3A_232 : vector<1x16xf32> to vector<16xf32>
        %parallel_loop3A_234 = arith.addf %parallel_loop3A_167, %parallel_loop3A_233 : vector<16xf32>
        %parallel_loop3A_235 = arith.maximumf %parallel_loop3A_234, %parallel_loop3A_169 : vector<16xf32>
        %parallel_loop3A_236 = arith.minimumf %parallel_loop3A_234, %parallel_loop3A_169 : vector<16xf32>
        %parallel_loop3A_237 = arith.mulf %parallel_loop3A_171, %parallel_loop3A_236 : vector<16xf32>
        %parallel_loop3A_238 = arith.addf %parallel_loop3A_235, %parallel_loop3A_237 : vector<16xf32>
        %parallel_loop3A_239 = arith.constant 64 : i32
        %parallel_loop3A_240 = arith.muli %arg0, %parallel_loop3A_239 : i32
        %parallel_loop3A_241 = arith.constant 48 : i32
        %parallel_loop3A_242 = arith.addi %parallel_loop3A_240, %parallel_loop3A_241 : i32
        %parallel_loop3A_243 = arith.index_cast %parallel_loop3A_242 : i32 to index
        %parallel_loop3A_244 = tpu.vector_load %arg17[%parallel_loop3A_243] {strides = array<i32>} : memref<128xf32, #tpu.memory_space<vmem>>, vector<16xf32>,
        %parallel_loop3A_245 = vector.shape_cast %parallel_loop3A_244 : vector<16xf32> to vector<16xf32>
        %parallel_loop3A_246 = arith.mulf %parallel_loop3A_238, %parallel_loop3A_245 : vector<16xf32>
        %parallel_loop3A_247 = arith.addf %parallel_loop3A_229, %parallel_loop3A_246 : vector<16xf32>
        %parallel_loop3A_248 = tpu.iota {dimensions = array<i32: 0>} : vector<16xi32>
        %parallel_loop3A_249 = arith.constant 8 : i32
        %parallel_loop3A_250 = vector.broadcast %parallel_loop3A_249 : i32 to vector<16xi32>
        %parallel_loop3A_251 = arith.xori %parallel_loop3A_248, %parallel_loop3A_250 : vector<16xi32>
        %parallel_loop3A_252 = vector.shape_cast %parallel_loop3A_251 : vector<16xi32> to vector<16x1xi32>
        %parallel_loop3A_253 = vector.shape_cast %parallel_loop3A_252 : vector<16x1xi32> to vector<16xi32>
        %parallel_loop3A_254 = tpu.dynamic_gather %parallel_loop3A_209[%parallel_loop3A_253] in [0] : vector<16xf32>, vector<16xi32> -> vector<16xf32>
        %parallel_loop3A_255 = arith.addf %parallel_loop3A_209, %parallel_loop3A_254 : vector<16xf32>
        %parallel_loop3A_256 = arith.constant 8 : i32
        %parallel_loop3A_257 = vector.broadcast %parallel_loop3A_256 : i32 to vector<16xi32>
        %parallel_loop3A_258 = arith.xori %parallel_loop3A_248, %parallel_loop3A_257 : vector<16xi32>
        %parallel_loop3A_259 = vector.shape_cast %parallel_loop3A_258 : vector<16xi32> to vector<16x1xi32>
        %parallel_loop3A_260 = vector.shape_cast %parallel_loop3A_259 : vector<16x1xi32> to vector<16xi32>
        %parallel_loop3A_261 = tpu.dynamic_gather %parallel_loop3A_247[%parallel_loop3A_260] in [0] : vector<16xf32>, vector<16xi32> -> vector<16xf32>
        %parallel_loop3A_262 = arith.addf %parallel_loop3A_247, %parallel_loop3A_261 : vector<16xf32>
        %parallel_loop3A_263 = arith.constant 8 : i32
        %parallel_loop3A_264 = vector.broadcast %parallel_loop3A_263 : i32 to vector<16xi32>
        %parallel_loop3A_265 = arith.cmpi slt, %parallel_loop3A_248, %parallel_loop3A_264 : vector<16xi32>
        %parallel_loop3A_266 = arith.select %parallel_loop3A_265, %parallel_loop3A_255, %parallel_loop3A_262 : vector<16xi1>, vector<16xf32>
        %parallel_loop3A_267 = arith.constant 4 : i32
        %parallel_loop3A_268 = vector.broadcast %parallel_loop3A_267 : i32 to vector<16xi32>
        %parallel_loop3A_269 = arith.xori %parallel_loop3A_248, %parallel_loop3A_268 : vector<16xi32>
        %parallel_loop3A_270 = vector.shape_cast %parallel_loop3A_269 : vector<16xi32> to vector<16x1xi32>
        %parallel_loop3A_271 = vector.shape_cast %parallel_loop3A_270 : vector<16x1xi32> to vector<16xi32>
        %parallel_loop3A_272 = tpu.dynamic_gather %parallel_loop3A_266[%parallel_loop3A_271] in [0] : vector<16xf32>, vector<16xi32> -> vector<16xf32>
        %parallel_loop3A_273 = arith.addf %parallel_loop3A_266, %parallel_loop3A_272 : vector<16xf32>
        %parallel_loop3A_274 = arith.constant 2 : i32
        %parallel_loop3A_275 = vector.broadcast %parallel_loop3A_274 : i32 to vector<16xi32>
        %parallel_loop3A_276 = arith.xori %parallel_loop3A_248, %parallel_loop3A_275 : vector<16xi32>
        %parallel_loop3A_277 = vector.shape_cast %parallel_loop3A_276 : vector<16xi32> to vector<16x1xi32>
        %parallel_loop3A_278 = vector.shape_cast %parallel_loop3A_277 : vector<16x1xi32> to vector<16xi32>
        %parallel_loop3A_279 = tpu.dynamic_gather %parallel_loop3A_273[%parallel_loop3A_278] in [0] : vector<16xf32>, vector<16xi32> -> vector<16xf32>
        %parallel_loop3A_280 = arith.addf %parallel_loop3A_273, %parallel_loop3A_279 : vector<16xf32>
        %parallel_loop3A_281 = arith.constant 1 : i32
        %parallel_loop3A_282 = vector.broadcast %parallel_loop3A_281 : i32 to vector<16xi32>
        %parallel_loop3A_283 = arith.xori %parallel_loop3A_248, %parallel_loop3A_282 : vector<16xi32>
        %parallel_loop3A_284 = vector.shape_cast %parallel_loop3A_283 : vector<16xi32> to vector<16x1xi32>
        %parallel_loop3A_285 = vector.shape_cast %parallel_loop3A_284 : vector<16x1xi32> to vector<16xi32>
        %parallel_loop3A_286 = tpu.dynamic_gather %parallel_loop3A_280[%parallel_loop3A_285] in [0] : vector<16xf32>, vector<16xi32> -> vector<16xf32>
        %parallel_loop3A_287 = arith.addf %parallel_loop3A_280, %parallel_loop3A_286 : vector<16xf32>
        %parallel_loop3A_288 = math.exp %parallel_loop3A_287 : vector<16xf32>
        %parallel_loop3A_289 = arith.constant 7 : i32
        %parallel_loop3A_290 = vector.broadcast %parallel_loop3A_289 : i32 to vector<16xi32>
        %parallel_loop3A_291 = arith.andi %parallel_loop3A_248, %parallel_loop3A_290 : vector<16xi32>
        %parallel_loop3A_292 = vector.shape_cast %parallel_loop3A_291 : vector<16xi32> to vector<16x1xi32>
        %parallel_loop3A_293 = vector.shape_cast %parallel_loop3A_292 : vector<16x1xi32> to vector<16xi32>
        %parallel_loop3A_294 = tpu.dynamic_gather %parallel_loop3A_288[%parallel_loop3A_293] in [0] : vector<16xf32>, vector<16xi32> -> vector<16xf32>
        %parallel_loop3A_295 = arith.constant 7 : i32
        %parallel_loop3A_296 = vector.broadcast %parallel_loop3A_295 : i32 to vector<16xi32>
        %parallel_loop3A_297 = arith.andi %parallel_loop3A_248, %parallel_loop3A_296 : vector<16xi32>
        %parallel_loop3A_298 = arith.constant 8 : i32
        %parallel_loop3A_299 = vector.broadcast %parallel_loop3A_298 : i32 to vector<16xi32>
        %parallel_loop3A_300 = arith.ori %parallel_loop3A_297, %parallel_loop3A_299 : vector<16xi32>
        %parallel_loop3A_301 = vector.shape_cast %parallel_loop3A_300 : vector<16xi32> to vector<16x1xi32>
        %parallel_loop3A_302 = vector.shape_cast %parallel_loop3A_301 : vector<16x1xi32> to vector<16xi32>
        %parallel_loop3A_303 = tpu.dynamic_gather %parallel_loop3A_288[%parallel_loop3A_302] in [0] : vector<16xf32>, vector<16xi32> -> vector<16xf32>
        %parallel_loop3A_304 = arith.mulf %parallel_loop3A_294, %parallel_loop3A_155 : vector<16xf32>
        %parallel_loop3A_305 = arith.index_cast %parallel_loop3A_151 : i32 to index
        %parallel_loop3A_306 = arith.constant 0 : index
        %parallel_loop3A_307 = tpu.vector_load %arg16[%parallel_loop3A_305, %parallel_loop3A_306] {strides = array<i32>} : memref<128x80xf32, #tpu.memory_space<vmem>>, vector<1x16xf32>,
        %parallel_loop3A_308 = vector.shape_cast %parallel_loop3A_307 : vector<1x16xf32> to vector<16xf32>
        %parallel_loop3A_309 = vector.shape_cast %parallel_loop3A_304 : vector<16xf32> to vector<1x16xf32>
        tpu.vector_store %arg16[%parallel_loop3A_305, %parallel_loop3A_306], %parallel_loop3A_309 {strides = array<i32>} : memref<128x80xf32, #tpu.memory_space<vmem>>, vector<1x16xf32>,
        %parallel_loop3A_310 = arith.mulf %parallel_loop3A_294, %parallel_loop3A_159 : vector<16xf32>
        %parallel_loop3A_311 = arith.index_cast %parallel_loop3A_151 : i32 to index
        %parallel_loop3A_312 = arith.constant 16 : index
        %parallel_loop3A_313 = tpu.vector_load %arg16[%parallel_loop3A_311, %parallel_loop3A_312] {strides = array<i32>} : memref<128x80xf32, #tpu.memory_space<vmem>>, vector<1x16xf32>,
        %parallel_loop3A_314 = vector.shape_cast %parallel_loop3A_313 : vector<1x16xf32> to vector<16xf32>
        %parallel_loop3A_315 = vector.shape_cast %parallel_loop3A_310 : vector<16xf32> to vector<1x16xf32>
        tpu.vector_store %arg16[%parallel_loop3A_311, %parallel_loop3A_312], %parallel_loop3A_315 {strides = array<i32>} : memref<128x80xf32, #tpu.memory_space<vmem>>, vector<1x16xf32>,
        %parallel_loop3A_316 = arith.mulf %parallel_loop3A_303, %parallel_loop3A_163 : vector<16xf32>
        %parallel_loop3A_317 = arith.index_cast %parallel_loop3A_151 : i32 to index
        %parallel_loop3A_318 = arith.constant 32 : index
        %parallel_loop3A_319 = tpu.vector_load %arg16[%parallel_loop3A_317, %parallel_loop3A_318] {strides = array<i32>} : memref<128x80xf32, #tpu.memory_space<vmem>>, vector<1x16xf32>,
        %parallel_loop3A_320 = vector.shape_cast %parallel_loop3A_319 : vector<1x16xf32> to vector<16xf32>
        %parallel_loop3A_321 = vector.shape_cast %parallel_loop3A_316 : vector<16xf32> to vector<1x16xf32>
        tpu.vector_store %arg16[%parallel_loop3A_317, %parallel_loop3A_318], %parallel_loop3A_321 {strides = array<i32>} : memref<128x80xf32, #tpu.memory_space<vmem>>, vector<1x16xf32>,
        %parallel_loop3A_322 = arith.mulf %parallel_loop3A_303, %parallel_loop3A_167 : vector<16xf32>
        %parallel_loop3A_323 = arith.index_cast %parallel_loop3A_151 : i32 to index
        %parallel_loop3A_324 = arith.constant 48 : index
        %parallel_loop3A_325 = tpu.vector_load %arg16[%parallel_loop3A_323, %parallel_loop3A_324] {strides = array<i32>} : memref<128x80xf32, #tpu.memory_space<vmem>>, vector<1x16xf32>,
        %parallel_loop3A_326 = vector.shape_cast %parallel_loop3A_325 : vector<1x16xf32> to vector<16xf32>
        %parallel_loop3A_327 = vector.shape_cast %parallel_loop3A_322 : vector<16xf32> to vector<1x16xf32>
        tpu.vector_store %arg16[%parallel_loop3A_323, %parallel_loop3A_324], %parallel_loop3A_327 {strides = array<i32>} : memref<128x80xf32, #tpu.memory_space<vmem>>, vector<1x16xf32>,
        %parallel_loop3A_328 = arith.index_cast %parallel_loop3A_151 : i32 to index
        %parallel_loop3A_329 = arith.constant 64 : index
        %parallel_loop3A_330 = tpu.vector_load %arg16[%parallel_loop3A_328, %parallel_loop3A_329] {strides = array<i32>} : memref<128x80xf32, #tpu.memory_space<vmem>>, vector<1x16xf32>,
        %parallel_loop3A_331 = vector.shape_cast %parallel_loop3A_330 : vector<1x16xf32> to vector<16xf32>
        %parallel_loop3A_332 = vector.shape_cast %parallel_loop3A_288 : vector<16xf32> to vector<1x16xf32>
        tpu.vector_store %arg16[%parallel_loop3A_328, %parallel_loop3A_329], %parallel_loop3A_332 {strides = array<i32>} : memref<128x80xf32, #tpu.memory_space<vmem>>, vector<1x16xf32>,
      } {sc.loop_unroll_factor = 4 : i64, sc.parallel_access}
      %dma_start3A_102 = arith.constant 0 : i32
      %dma_start3A_103 = arith.constant 0 : i32
      %dma_start3A_104 = tpu.memref_slice %arg18[%dma_start3A_102, %dma_start3A_103] : memref<10016x80xf32, #tpu.memory_space<vmem_shared>> -> memref<10016x80xf32, #tpu.memory_space<vmem_shared>>
      tpu.enqueue_indirect_dma source(%arg16 : memref<128x80xf32, #tpu.memory_space<vmem>>) target(%dma_start3A_104 : memref<10016x80xf32, #tpu.memory_space<vmem_shared>>) offsets(%arg13 : memref<128xi32, #tpu.memory_space<vmem>>) semaphore(%arg29 : memref<!tpu.dma_semaphore, #tpu.memory_space<semaphore_mem>>) {add = true}
      %mul3A_105 = arith.constant 2 : i32
      %mul3A_106 = arith.muli %mul3A_105, %scan3A_61 : i32
      %add3A_107 = arith.constant 1 : i32
      %add3A_108 = arith.addi %mul3A_106, %add3A_107 : i32
      %add3A_109 = arith.constant 1 : i32
      %add3A_110 = arith.addi %add3A_108, %add3A_109 : i32
      %lt3A_111 = arith.constant 162 : i32
      %lt3A_112 = arith.cmpi slt, %add3A_110, %lt3A_111 : i32
      %convert_element_type3A_113 = arith.extui %lt3A_112 : i1 to i32
      %cond3A_114 = arith.constant 0 : i32
      %cond3A_115 = arith.cmpi ne, %convert_element_type3A_113, %cond3A_114 : i32
      scf.if %cond3A_115 {
        %dma_wait3A_151 = arith.constant 0 : i32
        %dma_wait3A_152 = tpu.memref_slice %arg6[%dma_wait3A_151] : memref<331776xi32, #tpu.memory_space<hbm>> -> memref<128xi32, #tpu.memory_space<hbm>>
        %dma_wait3A_153 = arith.constant 0 : i32
        %dma_wait3A_154 = tpu.memref_slice %arg6[%dma_wait3A_153] : memref<331776xi32, #tpu.memory_space<hbm>> -> memref<128xi32, #tpu.memory_space<hbm>>
        tpu.wait_dma2 semaphore(%arg28 : memref<!tpu.dma_semaphore, #tpu.memory_space<semaphore_mem>>) src(%dma_wait3A_154 : memref<128xi32, #tpu.memory_space<hbm>>) dst(%arg11 : memref<128xi32, #tpu.memory_space<vmem>>)
        %dma_wait3A_155 = arith.constant 0 : i32
        %dma_wait3A_156 = tpu.memref_slice %arg6[%dma_wait3A_155] : memref<331776xi32, #tpu.memory_space<hbm>> -> memref<128xi32, #tpu.memory_space<hbm>>
        %dma_wait3A_157 = arith.constant 0 : i32
        %dma_wait3A_158 = tpu.memref_slice %arg6[%dma_wait3A_157] : memref<331776xi32, #tpu.memory_space<hbm>> -> memref<128xi32, #tpu.memory_space<hbm>>
        tpu.wait_dma2 semaphore(%arg28 : memref<!tpu.dma_semaphore, #tpu.memory_space<semaphore_mem>>) src(%dma_wait3A_158 : memref<128xi32, #tpu.memory_space<hbm>>) dst(%arg12 : memref<128xi32, #tpu.memory_space<vmem>>)
        %dma_wait3A_159 = arith.constant 0 : i32
        %dma_wait3A_160 = tpu.memref_slice %arg6[%dma_wait3A_159] : memref<331776xi32, #tpu.memory_space<hbm>> -> memref<128xi32, #tpu.memory_space<hbm>>
        %dma_wait3A_161 = arith.constant 0 : i32
        %dma_wait3A_162 = tpu.memref_slice %arg6[%dma_wait3A_161] : memref<331776xi32, #tpu.memory_space<hbm>> -> memref<128xi32, #tpu.memory_space<hbm>>
        tpu.wait_dma2 semaphore(%arg28 : memref<!tpu.dma_semaphore, #tpu.memory_space<semaphore_mem>>) src(%dma_wait3A_162 : memref<128xi32, #tpu.memory_space<hbm>>) dst(%arg25 : memref<128xi32, #tpu.memory_space<vmem>>)
        %eq3A_163 = arith.constant 0 : i32
        %eq3A_164 = arith.cmpi eq, %arg0, %eq3A_163 : i32
        %convert_element_type3A_165 = arith.extui %eq3A_164 : i1 to i32
        %cond3A_166 = arith.constant 0 : i32
        %cond3A_167 = arith.cmpi ne, %convert_element_type3A_165, %cond3A_166 : i32
        scf.if %cond3A_167 {
          %dma_start3A_173 = arith.constant 0 : i32
          %dma_start3A_174 = arith.constant 0 : i32
          %dma_start3A_175 = tpu.memref_slice %arg2[%dma_start3A_173, %dma_start3A_174] : memref<10000x64xf32, #tpu.memory_space<hbm>> -> memref<10000x64xf32, #tpu.memory_space<hbm>>
          tpu.enqueue_indirect_dma source(%dma_start3A_175 : memref<10000x64xf32, #tpu.memory_space<hbm>>) target(%arg14 : memref<128x64xf32, #tpu.memory_space<vmem>>) offsets(%arg11 : memref<128xi32, #tpu.memory_space<vmem>>) semaphore(%arg27 : memref<!tpu.dma_semaphore, #tpu.memory_space<semaphore_mem>>)
          %dma_start3A_176 = arith.constant 0 : i32
          %dma_start3A_177 = arith.constant 0 : i32
          %dma_start3A_178 = tpu.memref_slice %arg4[%dma_start3A_176, %dma_start3A_177] : memref<10000x64xf32, #tpu.memory_space<hbm>> -> memref<10000x64xf32, #tpu.memory_space<hbm>>
          tpu.enqueue_indirect_dma source(%dma_start3A_178 : memref<10000x64xf32, #tpu.memory_space<hbm>>) target(%arg15 : memref<128x64xf32, #tpu.memory_space<vmem>>) offsets(%arg12 : memref<128xi32, #tpu.memory_space<vmem>>) semaphore(%arg27 : memref<!tpu.dma_semaphore, #tpu.memory_space<semaphore_mem>>)
        } else {
        }
        %eq3A_168 = arith.constant 1 : i32
        %eq3A_169 = arith.cmpi eq, %arg0, %eq3A_168 : i32
        %convert_element_type3A_170 = arith.extui %eq3A_169 : i1 to i32
        %cond3A_171 = arith.constant 0 : i32
        %cond3A_172 = arith.cmpi ne, %convert_element_type3A_170, %cond3A_171 : i32
        scf.if %cond3A_172 {
          %dma_start3A_173 = arith.constant 0 : i32
          %dma_start3A_174 = arith.constant 0 : i32
          %dma_start3A_175 = tpu.memref_slice %arg3[%dma_start3A_173, %dma_start3A_174] : memref<10000x64xf32, #tpu.memory_space<hbm>> -> memref<10000x64xf32, #tpu.memory_space<hbm>>
          tpu.enqueue_indirect_dma source(%dma_start3A_175 : memref<10000x64xf32, #tpu.memory_space<hbm>>) target(%arg14 : memref<128x64xf32, #tpu.memory_space<vmem>>) offsets(%arg11 : memref<128xi32, #tpu.memory_space<vmem>>) semaphore(%arg27 : memref<!tpu.dma_semaphore, #tpu.memory_space<semaphore_mem>>)
          %dma_start3A_176 = arith.constant 0 : i32
          %dma_start3A_177 = arith.constant 0 : i32
          %dma_start3A_178 = tpu.memref_slice %arg5[%dma_start3A_176, %dma_start3A_177] : memref<10000x64xf32, #tpu.memory_space<hbm>> -> memref<10000x64xf32, #tpu.memory_space<hbm>>
          tpu.enqueue_indirect_dma source(%dma_start3A_178 : memref<10000x64xf32, #tpu.memory_space<hbm>>) target(%arg15 : memref<128x64xf32, #tpu.memory_space<vmem>>) offsets(%arg12 : memref<128xi32, #tpu.memory_space<vmem>>) semaphore(%arg27 : memref<!tpu.dma_semaphore, #tpu.memory_space<semaphore_mem>>)
        } else {
        }
      } else {
      }
      %ge3A_116 = arith.constant 2 : i32
      %ge3A_117 = arith.cmpi sge, %add3A_108, %ge3A_116 : i32
      %convert_element_type3A_118 = arith.extui %ge3A_117 : i1 to i32
      %cond3A_119 = arith.constant 0 : i32
      %cond3A_120 = arith.cmpi ne, %convert_element_type3A_118, %cond3A_119 : i32
      scf.if %cond3A_120 {
        %dma_wait3A_151 = arith.constant 0 : i32
        %dma_wait3A_152 = arith.constant 0 : i32
        %dma_wait3A_153 = tpu.memref_slice %arg18[%dma_wait3A_151, %dma_wait3A_152] : memref<10016x80xf32, #tpu.memory_space<vmem_shared>> -> memref<10016x80xf32, #tpu.memory_space<vmem_shared>>
        tpu.wait_indirect_dma semaphore(%arg30 : memref<!tpu.dma_semaphore, #tpu.memory_space<semaphore_mem>>) src(%arg23 : memref<128x80xf32, #tpu.memory_space<vmem>>) dst(%dma_wait3A_153 : memref<10016x80xf32, #tpu.memory_space<vmem_shared>>)
      } else {
      }
      %dma_wait3A_121 = arith.constant 0 : i32
      %dma_wait3A_122 = arith.constant 0 : i32
      %dma_wait3A_123 = tpu.memref_slice %arg2[%dma_wait3A_121, %dma_wait3A_122] : memref<10000x64xf32, #tpu.memory_space<hbm>> -> memref<128x64xf32, #tpu.memory_space<hbm>>
      %dma_wait3A_124 = arith.constant 0 : i32
      %dma_wait3A_125 = arith.constant 0 : i32
      %dma_wait3A_126 = tpu.memref_slice %arg2[%dma_wait3A_124, %dma_wait3A_125] : memref<10000x64xf32, #tpu.memory_space<hbm>> -> memref<128x64xf32, #tpu.memory_space<hbm>>
      tpu.wait_dma2 semaphore(%arg27 : memref<!tpu.dma_semaphore, #tpu.memory_space<semaphore_mem>>) src(%dma_wait3A_126 : memref<128x64xf32, #tpu.memory_space<hbm>>) dst(%arg21 : memref<128x64xf32, #tpu.memory_space<vmem>>)
      %dma_wait3A_127 = arith.constant 0 : i32
      %dma_wait3A_128 = arith.constant 0 : i32
      %dma_wait3A_129 = tpu.memref_slice %arg2[%dma_wait3A_127, %dma_wait3A_128] : memref<10000x64xf32, #tpu.memory_space<hbm>> -> memref<128x64xf32, #tpu.memory_space<hbm>>
      %dma_wait3A_130 = arith.constant 0 : i32
      %dma_wait3A_131 = arith.constant 0 : i32
      %dma_wait3A_132 = tpu.memref_slice %arg2[%dma_wait3A_130, %dma_wait3A_131] : memref<10000x64xf32, #tpu.memory_space<hbm>> -> memref<128x64xf32, #tpu.memory_space<hbm>>
      tpu.wait_dma2 semaphore(%arg27 : memref<!tpu.dma_semaphore, #tpu.memory_space<semaphore_mem>>) src(%dma_wait3A_132 : memref<128x64xf32, #tpu.memory_space<hbm>>) dst(%arg22 : memref<128x64xf32, #tpu.memory_space<vmem>>)
      %scan3A_133 = arith.constant 0 : i32
      %scan3A_134 = arith.constant 8 : i32
      %scan3A_135 = arith.addi %scan3A_133, %scan3A_134 : i32
      %scan3A_136 = arith.constant 1 : i32
      scf.for %scan3A_151 = %scan3A_133 to %scan3A_135 step %scan3A_136  : i32 {
        %mul3A_152 = arith.constant 16 : i32
        %mul3A_153 = arith.muli %scan3A_151, %mul3A_152 : i32
        %get3A = arith.index_cast %mul3A_153 : i32 to index
        %get3A_154 = tpu.vector_load %arg26[%get3A] {strides = array<i32>} : memref<128xi32, #tpu.memory_space<vmem>>, vector<16xi32>,
        %get3A_155 = vector.shape_cast %get3A_154 : vector<16xi32> to vector<16xi32>
        %swap3A = arith.index_cast %mul3A_153 : i32 to index
        %swap3A_156 = tpu.vector_load %arg24[%swap3A] {strides = array<i32>} : memref<128xi32, #tpu.memory_space<vmem>>, vector<16xi32>,
        %swap3A_157 = vector.shape_cast %swap3A_156 : vector<16xi32> to vector<16xi32>
        %swap3A_158 = vector.shape_cast %get3A_155 : vector<16xi32> to vector<16xi32>
        tpu.vector_store %arg24[%swap3A], %swap3A_158 {strides = array<i32>} : memref<128xi32, #tpu.memory_space<vmem>>, vector<16xi32>,
      }
      %scan3A_137 = arith.constant 8 : i32
      %add3A_138 = arith.constant 2 : i32
      %add3A_139 = arith.addi %add3A_108, %add3A_138 : i32
      %lt3A_140 = arith.constant 162 : i32
      %lt3A_141 = arith.cmpi slt, %add3A_139, %lt3A_140 : i32
      %convert_element_type3A_142 = arith.extui %lt3A_141 : i1 to i32
      %cond3A_143 = arith.constant 0 : i32
      %cond3A_144 = arith.cmpi ne, %convert_element_type3A_142, %cond3A_143 : i32
      scf.if %cond3A_144 {
        %add3A_151 = arith.constant 2 : i32
        %add3A_152 = arith.addi %add3A_108, %add3A_151 : i32
        %mul3A_153 = arith.constant 128 : i32
        %mul3A_154 = arith.muli %add3A_152, %mul3A_153 : i32
        %add3A_155 = arith.addi %mul3A_15, %mul3A_154 : i32
        %dma_start3A_156 = tpu.memref_slice %arg6[%add3A_155] : memref<331776xi32, #tpu.memory_space<hbm>> -> memref<128xi32, #tpu.memory_space<hbm>>
        %dma_start3A_157 = tpu.memref_slice %arg6[%add3A_155] : memref<331776xi32, #tpu.memory_space<hbm>> -> memref<128xi32, #tpu.memory_space<hbm>>
        tpu.enqueue_dma source(%dma_start3A_157 : memref<128xi32, #tpu.memory_space<hbm>>) target(%arg19 : memref<128xi32, #tpu.memory_space<vmem>>) target_semaphore(%arg28 : memref<!tpu.dma_semaphore, #tpu.memory_space<semaphore_mem>>)
        %dma_start3A_158 = tpu.memref_slice %arg7[%add3A_155] : memref<331776xi32, #tpu.memory_space<hbm>> -> memref<128xi32, #tpu.memory_space<hbm>>
        %dma_start3A_159 = tpu.memref_slice %arg7[%add3A_155] : memref<331776xi32, #tpu.memory_space<hbm>> -> memref<128xi32, #tpu.memory_space<hbm>>
        tpu.enqueue_dma source(%dma_start3A_159 : memref<128xi32, #tpu.memory_space<hbm>>) target(%arg20 : memref<128xi32, #tpu.memory_space<vmem>>) target_semaphore(%arg28 : memref<!tpu.dma_semaphore, #tpu.memory_space<semaphore_mem>>)
        %dma_start3A_160 = tpu.memref_slice %arg8[%add3A_155] : memref<331776xi32, #tpu.memory_space<hbm>> -> memref<128xi32, #tpu.memory_space<hbm>>
        %dma_start3A_161 = tpu.memref_slice %arg8[%add3A_155] : memref<331776xi32, #tpu.memory_space<hbm>> -> memref<128xi32, #tpu.memory_space<hbm>>
        tpu.enqueue_dma source(%dma_start3A_161 : memref<128xi32, #tpu.memory_space<hbm>>) target(%arg26 : memref<128xi32, #tpu.memory_space<vmem>>) target_semaphore(%arg28 : memref<!tpu.dma_semaphore, #tpu.memory_space<semaphore_mem>>)
      } else {
      }
      %parallel_loop3A_145 = arith.constant 0 : i32
      %parallel_loop3A_146 = arith.constant 128 : i32
      %parallel_loop3A_147 = arith.constant 1 : i32
      scf.for %parallel_loop3A_151 = %parallel_loop3A_145 to %parallel_loop3A_146 step %parallel_loop3A_147  : i32 {
        %parallel_loop3A_152 = arith.index_cast %parallel_loop3A_151 : i32 to index
        %parallel_loop3A_153 = arith.constant 0 : index
        %parallel_loop3A_154 = tpu.vector_load %arg21[%parallel_loop3A_152, %parallel_loop3A_153] {strides = array<i32>} : memref<128x64xf32, #tpu.memory_space<vmem>>, vector<1x16xf32>,
        %parallel_loop3A_155 = vector.shape_cast %parallel_loop3A_154 : vector<1x16xf32> to vector<16xf32>
        %parallel_loop3A_156 = arith.index_cast %parallel_loop3A_151 : i32 to index
        %parallel_loop3A_157 = arith.constant 16 : index
        %parallel_loop3A_158 = tpu.vector_load %arg21[%parallel_loop3A_156, %parallel_loop3A_157] {strides = array<i32>} : memref<128x64xf32, #tpu.memory_space<vmem>>, vector<1x16xf32>,
        %parallel_loop3A_159 = vector.shape_cast %parallel_loop3A_158 : vector<1x16xf32> to vector<16xf32>
        %parallel_loop3A_160 = arith.index_cast %parallel_loop3A_151 : i32 to index
        %parallel_loop3A_161 = arith.constant 32 : index
        %parallel_loop3A_162 = tpu.vector_load %arg21[%parallel_loop3A_160, %parallel_loop3A_161] {strides = array<i32>} : memref<128x64xf32, #tpu.memory_space<vmem>>, vector<1x16xf32>,
        %parallel_loop3A_163 = vector.shape_cast %parallel_loop3A_162 : vector<1x16xf32> to vector<16xf32>
        %parallel_loop3A_164 = arith.index_cast %parallel_loop3A_151 : i32 to index
        %parallel_loop3A_165 = arith.constant 48 : index
        %parallel_loop3A_166 = tpu.vector_load %arg21[%parallel_loop3A_164, %parallel_loop3A_165] {strides = array<i32>} : memref<128x64xf32, #tpu.memory_space<vmem>>, vector<1x16xf32>,
        %parallel_loop3A_167 = vector.shape_cast %parallel_loop3A_166 : vector<1x16xf32> to vector<16xf32>
        %parallel_loop3A_168 = arith.constant 0.000000e+00 : f32
        %parallel_loop3A_169 = vector.broadcast %parallel_loop3A_168 : f32 to vector<16xf32>
        %parallel_loop3A_170 = arith.constant 2.000000e-01 : f32
        %parallel_loop3A_171 = vector.broadcast %parallel_loop3A_170 : f32 to vector<16xf32>
        %parallel_loop3A_172 = arith.constant 0.000000e+00 : f32
        %parallel_loop3A_173 = vector.broadcast %parallel_loop3A_172 : f32 to vector<16xf32>
        %parallel_loop3A_174 = arith.index_cast %parallel_loop3A_151 : i32 to index
        %parallel_loop3A_175 = arith.constant 0 : index
        %parallel_loop3A_176 = tpu.vector_load %arg22[%parallel_loop3A_174, %parallel_loop3A_175] {strides = array<i32>} : memref<128x64xf32, #tpu.memory_space<vmem>>, vector<1x16xf32>,
        %parallel_loop3A_177 = vector.shape_cast %parallel_loop3A_176 : vector<1x16xf32> to vector<16xf32>
        %parallel_loop3A_178 = arith.addf %parallel_loop3A_155, %parallel_loop3A_177 : vector<16xf32>
        %parallel_loop3A_179 = arith.maximumf %parallel_loop3A_178, %parallel_loop3A_169 : vector<16xf32>
        %parallel_loop3A_180 = arith.minimumf %parallel_loop3A_178, %parallel_loop3A_169 : vector<16xf32>
        %parallel_loop3A_181 = arith.mulf %parallel_loop3A_171, %parallel_loop3A_180 : vector<16xf32>
        %parallel_loop3A_182 = arith.addf %parallel_loop3A_179, %parallel_loop3A_181 : vector<16xf32>
        %parallel_loop3A_183 = arith.constant 64 : i32
        %parallel_loop3A_184 = arith.muli %arg0, %parallel_loop3A_183 : i32
        %parallel_loop3A_185 = arith.constant 0 : i32
        %parallel_loop3A_186 = arith.addi %parallel_loop3A_184, %parallel_loop3A_185 : i32
        %parallel_loop3A_187 = arith.index_cast %parallel_loop3A_186 : i32 to index
        %parallel_loop3A_188 = tpu.vector_load %arg17[%parallel_loop3A_187] {strides = array<i32>} : memref<128xf32, #tpu.memory_space<vmem>>, vector<16xf32>,
        %parallel_loop3A_189 = vector.shape_cast %parallel_loop3A_188 : vector<16xf32> to vector<16xf32>
        %parallel_loop3A_190 = arith.mulf %parallel_loop3A_182, %parallel_loop3A_189 : vector<16xf32>
        %parallel_loop3A_191 = arith.addf %parallel_loop3A_173, %parallel_loop3A_190 : vector<16xf32>
        %parallel_loop3A_192 = arith.index_cast %parallel_loop3A_151 : i32 to index
        %parallel_loop3A_193 = arith.constant 16 : index
        %parallel_loop3A_194 = tpu.vector_load %arg22[%parallel_loop3A_192, %parallel_loop3A_193] {strides = array<i32>} : memref<128x64xf32, #tpu.memory_space<vmem>>, vector<1x16xf32>,
        %parallel_loop3A_195 = vector.shape_cast %parallel_loop3A_194 : vector<1x16xf32> to vector<16xf32>
        %parallel_loop3A_196 = arith.addf %parallel_loop3A_159, %parallel_loop3A_195 : vector<16xf32>
        %parallel_loop3A_197 = arith.maximumf %parallel_loop3A_196, %parallel_loop3A_169 : vector<16xf32>
        %parallel_loop3A_198 = arith.minimumf %parallel_loop3A_196, %parallel_loop3A_169 : vector<16xf32>
        %parallel_loop3A_199 = arith.mulf %parallel_loop3A_171, %parallel_loop3A_198 : vector<16xf32>
        %parallel_loop3A_200 = arith.addf %parallel_loop3A_197, %parallel_loop3A_199 : vector<16xf32>
        %parallel_loop3A_201 = arith.constant 64 : i32
        %parallel_loop3A_202 = arith.muli %arg0, %parallel_loop3A_201 : i32
        %parallel_loop3A_203 = arith.constant 16 : i32
        %parallel_loop3A_204 = arith.addi %parallel_loop3A_202, %parallel_loop3A_203 : i32
        %parallel_loop3A_205 = arith.index_cast %parallel_loop3A_204 : i32 to index
        %parallel_loop3A_206 = tpu.vector_load %arg17[%parallel_loop3A_205] {strides = array<i32>} : memref<128xf32, #tpu.memory_space<vmem>>, vector<16xf32>,
        %parallel_loop3A_207 = vector.shape_cast %parallel_loop3A_206 : vector<16xf32> to vector<16xf32>
        %parallel_loop3A_208 = arith.mulf %parallel_loop3A_200, %parallel_loop3A_207 : vector<16xf32>
        %parallel_loop3A_209 = arith.addf %parallel_loop3A_191, %parallel_loop3A_208 : vector<16xf32>
        %parallel_loop3A_210 = arith.constant 0.000000e+00 : f32
        %parallel_loop3A_211 = vector.broadcast %parallel_loop3A_210 : f32 to vector<16xf32>
        %parallel_loop3A_212 = arith.index_cast %parallel_loop3A_151 : i32 to index
        %parallel_loop3A_213 = arith.constant 32 : index
        %parallel_loop3A_214 = tpu.vector_load %arg22[%parallel_loop3A_212, %parallel_loop3A_213] {strides = array<i32>} : memref<128x64xf32, #tpu.memory_space<vmem>>, vector<1x16xf32>,
        %parallel_loop3A_215 = vector.shape_cast %parallel_loop3A_214 : vector<1x16xf32> to vector<16xf32>
        %parallel_loop3A_216 = arith.addf %parallel_loop3A_163, %parallel_loop3A_215 : vector<16xf32>
        %parallel_loop3A_217 = arith.maximumf %parallel_loop3A_216, %parallel_loop3A_169 : vector<16xf32>
        %parallel_loop3A_218 = arith.minimumf %parallel_loop3A_216, %parallel_loop3A_169 : vector<16xf32>
        %parallel_loop3A_219 = arith.mulf %parallel_loop3A_171, %parallel_loop3A_218 : vector<16xf32>
        %parallel_loop3A_220 = arith.addf %parallel_loop3A_217, %parallel_loop3A_219 : vector<16xf32>
        %parallel_loop3A_221 = arith.constant 64 : i32
        %parallel_loop3A_222 = arith.muli %arg0, %parallel_loop3A_221 : i32
        %parallel_loop3A_223 = arith.constant 32 : i32
        %parallel_loop3A_224 = arith.addi %parallel_loop3A_222, %parallel_loop3A_223 : i32
        %parallel_loop3A_225 = arith.index_cast %parallel_loop3A_224 : i32 to index
        %parallel_loop3A_226 = tpu.vector_load %arg17[%parallel_loop3A_225] {strides = array<i32>} : memref<128xf32, #tpu.memory_space<vmem>>, vector<16xf32>,
        %parallel_loop3A_227 = vector.shape_cast %parallel_loop3A_226 : vector<16xf32> to vector<16xf32>
        %parallel_loop3A_228 = arith.mulf %parallel_loop3A_220, %parallel_loop3A_227 : vector<16xf32>
        %parallel_loop3A_229 = arith.addf %parallel_loop3A_211, %parallel_loop3A_228 : vector<16xf32>
        %parallel_loop3A_230 = arith.index_cast %parallel_loop3A_151 : i32 to index
        %parallel_loop3A_231 = arith.constant 48 : index
        %parallel_loop3A_232 = tpu.vector_load %arg22[%parallel_loop3A_230, %parallel_loop3A_231] {strides = array<i32>} : memref<128x64xf32, #tpu.memory_space<vmem>>, vector<1x16xf32>,
        %parallel_loop3A_233 = vector.shape_cast %parallel_loop3A_232 : vector<1x16xf32> to vector<16xf32>
        %parallel_loop3A_234 = arith.addf %parallel_loop3A_167, %parallel_loop3A_233 : vector<16xf32>
        %parallel_loop3A_235 = arith.maximumf %parallel_loop3A_234, %parallel_loop3A_169 : vector<16xf32>
        %parallel_loop3A_236 = arith.minimumf %parallel_loop3A_234, %parallel_loop3A_169 : vector<16xf32>
        %parallel_loop3A_237 = arith.mulf %parallel_loop3A_171, %parallel_loop3A_236 : vector<16xf32>
        %parallel_loop3A_238 = arith.addf %parallel_loop3A_235, %parallel_loop3A_237 : vector<16xf32>
        %parallel_loop3A_239 = arith.constant 64 : i32
        %parallel_loop3A_240 = arith.muli %arg0, %parallel_loop3A_239 : i32
        %parallel_loop3A_241 = arith.constant 48 : i32
        %parallel_loop3A_242 = arith.addi %parallel_loop3A_240, %parallel_loop3A_241 : i32
        %parallel_loop3A_243 = arith.index_cast %parallel_loop3A_242 : i32 to index
        %parallel_loop3A_244 = tpu.vector_load %arg17[%parallel_loop3A_243] {strides = array<i32>} : memref<128xf32, #tpu.memory_space<vmem>>, vector<16xf32>,
        %parallel_loop3A_245 = vector.shape_cast %parallel_loop3A_244 : vector<16xf32> to vector<16xf32>
        %parallel_loop3A_246 = arith.mulf %parallel_loop3A_238, %parallel_loop3A_245 : vector<16xf32>
        %parallel_loop3A_247 = arith.addf %parallel_loop3A_229, %parallel_loop3A_246 : vector<16xf32>
        %parallel_loop3A_248 = tpu.iota {dimensions = array<i32: 0>} : vector<16xi32>
        %parallel_loop3A_249 = arith.constant 8 : i32
        %parallel_loop3A_250 = vector.broadcast %parallel_loop3A_249 : i32 to vector<16xi32>
        %parallel_loop3A_251 = arith.xori %parallel_loop3A_248, %parallel_loop3A_250 : vector<16xi32>
        %parallel_loop3A_252 = vector.shape_cast %parallel_loop3A_251 : vector<16xi32> to vector<16x1xi32>
        %parallel_loop3A_253 = vector.shape_cast %parallel_loop3A_252 : vector<16x1xi32> to vector<16xi32>
        %parallel_loop3A_254 = tpu.dynamic_gather %parallel_loop3A_209[%parallel_loop3A_253] in [0] : vector<16xf32>, vector<16xi32> -> vector<16xf32>
        %parallel_loop3A_255 = arith.addf %parallel_loop3A_209, %parallel_loop3A_254 : vector<16xf32>
        %parallel_loop3A_256 = arith.constant 8 : i32
        %parallel_loop3A_257 = vector.broadcast %parallel_loop3A_256 : i32 to vector<16xi32>
        %parallel_loop3A_258 = arith.xori %parallel_loop3A_248, %parallel_loop3A_257 : vector<16xi32>
        %parallel_loop3A_259 = vector.shape_cast %parallel_loop3A_258 : vector<16xi32> to vector<16x1xi32>
        %parallel_loop3A_260 = vector.shape_cast %parallel_loop3A_259 : vector<16x1xi32> to vector<16xi32>
        %parallel_loop3A_261 = tpu.dynamic_gather %parallel_loop3A_247[%parallel_loop3A_260] in [0] : vector<16xf32>, vector<16xi32> -> vector<16xf32>
        %parallel_loop3A_262 = arith.addf %parallel_loop3A_247, %parallel_loop3A_261 : vector<16xf32>
        %parallel_loop3A_263 = arith.constant 8 : i32
        %parallel_loop3A_264 = vector.broadcast %parallel_loop3A_263 : i32 to vector<16xi32>
        %parallel_loop3A_265 = arith.cmpi slt, %parallel_loop3A_248, %parallel_loop3A_264 : vector<16xi32>
        %parallel_loop3A_266 = arith.select %parallel_loop3A_265, %parallel_loop3A_255, %parallel_loop3A_262 : vector<16xi1>, vector<16xf32>
        %parallel_loop3A_267 = arith.constant 4 : i32
        %parallel_loop3A_268 = vector.broadcast %parallel_loop3A_267 : i32 to vector<16xi32>
        %parallel_loop3A_269 = arith.xori %parallel_loop3A_248, %parallel_loop3A_268 : vector<16xi32>
        %parallel_loop3A_270 = vector.shape_cast %parallel_loop3A_269 : vector<16xi32> to vector<16x1xi32>
        %parallel_loop3A_271 = vector.shape_cast %parallel_loop3A_270 : vector<16x1xi32> to vector<16xi32>
        %parallel_loop3A_272 = tpu.dynamic_gather %parallel_loop3A_266[%parallel_loop3A_271] in [0] : vector<16xf32>, vector<16xi32> -> vector<16xf32>
        %parallel_loop3A_273 = arith.addf %parallel_loop3A_266, %parallel_loop3A_272 : vector<16xf32>
        %parallel_loop3A_274 = arith.constant 2 : i32
        %parallel_loop3A_275 = vector.broadcast %parallel_loop3A_274 : i32 to vector<16xi32>
        %parallel_loop3A_276 = arith.xori %parallel_loop3A_248, %parallel_loop3A_275 : vector<16xi32>
        %parallel_loop3A_277 = vector.shape_cast %parallel_loop3A_276 : vector<16xi32> to vector<16x1xi32>
        %parallel_loop3A_278 = vector.shape_cast %parallel_loop3A_277 : vector<16x1xi32> to vector<16xi32>
        %parallel_loop3A_279 = tpu.dynamic_gather %parallel_loop3A_273[%parallel_loop3A_278] in [0] : vector<16xf32>, vector<16xi32> -> vector<16xf32>
        %parallel_loop3A_280 = arith.addf %parallel_loop3A_273, %parallel_loop3A_279 : vector<16xf32>
        %parallel_loop3A_281 = arith.constant 1 : i32
        %parallel_loop3A_282 = vector.broadcast %parallel_loop3A_281 : i32 to vector<16xi32>
        %parallel_loop3A_283 = arith.xori %parallel_loop3A_248, %parallel_loop3A_282 : vector<16xi32>
        %parallel_loop3A_284 = vector.shape_cast %parallel_loop3A_283 : vector<16xi32> to vector<16x1xi32>
        %parallel_loop3A_285 = vector.shape_cast %parallel_loop3A_284 : vector<16x1xi32> to vector<16xi32>
        %parallel_loop3A_286 = tpu.dynamic_gather %parallel_loop3A_280[%parallel_loop3A_285] in [0] : vector<16xf32>, vector<16xi32> -> vector<16xf32>
        %parallel_loop3A_287 = arith.addf %parallel_loop3A_280, %parallel_loop3A_286 : vector<16xf32>
        %parallel_loop3A_288 = math.exp %parallel_loop3A_287 : vector<16xf32>
        %parallel_loop3A_289 = arith.constant 7 : i32
        %parallel_loop3A_290 = vector.broadcast %parallel_loop3A_289 : i32 to vector<16xi32>
        %parallel_loop3A_291 = arith.andi %parallel_loop3A_248, %parallel_loop3A_290 : vector<16xi32>
        %parallel_loop3A_292 = vector.shape_cast %parallel_loop3A_291 : vector<16xi32> to vector<16x1xi32>
        %parallel_loop3A_293 = vector.shape_cast %parallel_loop3A_292 : vector<16x1xi32> to vector<16xi32>
        %parallel_loop3A_294 = tpu.dynamic_gather %parallel_loop3A_288[%parallel_loop3A_293] in [0] : vector<16xf32>, vector<16xi32> -> vector<16xf32>
        %parallel_loop3A_295 = arith.constant 7 : i32
        %parallel_loop3A_296 = vector.broadcast %parallel_loop3A_295 : i32 to vector<16xi32>
        %parallel_loop3A_297 = arith.andi %parallel_loop3A_248, %parallel_loop3A_296 : vector<16xi32>
        %parallel_loop3A_298 = arith.constant 8 : i32
        %parallel_loop3A_299 = vector.broadcast %parallel_loop3A_298 : i32 to vector<16xi32>
        %parallel_loop3A_300 = arith.ori %parallel_loop3A_297, %parallel_loop3A_299 : vector<16xi32>
        %parallel_loop3A_301 = vector.shape_cast %parallel_loop3A_300 : vector<16xi32> to vector<16x1xi32>
        %parallel_loop3A_302 = vector.shape_cast %parallel_loop3A_301 : vector<16x1xi32> to vector<16xi32>
        %parallel_loop3A_303 = tpu.dynamic_gather %parallel_loop3A_288[%parallel_loop3A_302] in [0] : vector<16xf32>, vector<16xi32> -> vector<16xf32>
        %parallel_loop3A_304 = arith.mulf %parallel_loop3A_294, %parallel_loop3A_155 : vector<16xf32>
        %parallel_loop3A_305 = arith.index_cast %parallel_loop3A_151 : i32 to index
        %parallel_loop3A_306 = arith.constant 0 : index
        %parallel_loop3A_307 = tpu.vector_load %arg23[%parallel_loop3A_305, %parallel_loop3A_306] {strides = array<i32>} : memref<128x80xf32, #tpu.memory_space<vmem>>, vector<1x16xf32>,
        %parallel_loop3A_308 = vector.shape_cast %parallel_loop3A_307 : vector<1x16xf32> to vector<16xf32>
        %parallel_loop3A_309 = vector.shape_cast %parallel_loop3A_304 : vector<16xf32> to vector<1x16xf32>
        tpu.vector_store %arg23[%parallel_loop3A_305, %parallel_loop3A_306], %parallel_loop3A_309 {strides = array<i32>} : memref<128x80xf32, #tpu.memory_space<vmem>>, vector<1x16xf32>,
        %parallel_loop3A_310 = arith.mulf %parallel_loop3A_294, %parallel_loop3A_159 : vector<16xf32>
        %parallel_loop3A_311 = arith.index_cast %parallel_loop3A_151 : i32 to index
        %parallel_loop3A_312 = arith.constant 16 : index
        %parallel_loop3A_313 = tpu.vector_load %arg23[%parallel_loop3A_311, %parallel_loop3A_312] {strides = array<i32>} : memref<128x80xf32, #tpu.memory_space<vmem>>, vector<1x16xf32>,
        %parallel_loop3A_314 = vector.shape_cast %parallel_loop3A_313 : vector<1x16xf32> to vector<16xf32>
        %parallel_loop3A_315 = vector.shape_cast %parallel_loop3A_310 : vector<16xf32> to vector<1x16xf32>
        tpu.vector_store %arg23[%parallel_loop3A_311, %parallel_loop3A_312], %parallel_loop3A_315 {strides = array<i32>} : memref<128x80xf32, #tpu.memory_space<vmem>>, vector<1x16xf32>,
        %parallel_loop3A_316 = arith.mulf %parallel_loop3A_303, %parallel_loop3A_163 : vector<16xf32>
        %parallel_loop3A_317 = arith.index_cast %parallel_loop3A_151 : i32 to index
        %parallel_loop3A_318 = arith.constant 32 : index
        %parallel_loop3A_319 = tpu.vector_load %arg23[%parallel_loop3A_317, %parallel_loop3A_318] {strides = array<i32>} : memref<128x80xf32, #tpu.memory_space<vmem>>, vector<1x16xf32>,
        %parallel_loop3A_320 = vector.shape_cast %parallel_loop3A_319 : vector<1x16xf32> to vector<16xf32>
        %parallel_loop3A_321 = vector.shape_cast %parallel_loop3A_316 : vector<16xf32> to vector<1x16xf32>
        tpu.vector_store %arg23[%parallel_loop3A_317, %parallel_loop3A_318], %parallel_loop3A_321 {strides = array<i32>} : memref<128x80xf32, #tpu.memory_space<vmem>>, vector<1x16xf32>,
        %parallel_loop3A_322 = arith.mulf %parallel_loop3A_303, %parallel_loop3A_167 : vector<16xf32>
        %parallel_loop3A_323 = arith.index_cast %parallel_loop3A_151 : i32 to index
        %parallel_loop3A_324 = arith.constant 48 : index
        %parallel_loop3A_325 = tpu.vector_load %arg23[%parallel_loop3A_323, %parallel_loop3A_324] {strides = array<i32>} : memref<128x80xf32, #tpu.memory_space<vmem>>, vector<1x16xf32>,
        %parallel_loop3A_326 = vector.shape_cast %parallel_loop3A_325 : vector<1x16xf32> to vector<16xf32>
        %parallel_loop3A_327 = vector.shape_cast %parallel_loop3A_322 : vector<16xf32> to vector<1x16xf32>
        tpu.vector_store %arg23[%parallel_loop3A_323, %parallel_loop3A_324], %parallel_loop3A_327 {strides = array<i32>} : memref<128x80xf32, #tpu.memory_space<vmem>>, vector<1x16xf32>,
        %parallel_loop3A_328 = arith.index_cast %parallel_loop3A_151 : i32 to index
        %parallel_loop3A_329 = arith.constant 64 : index
        %parallel_loop3A_330 = tpu.vector_load %arg23[%parallel_loop3A_328, %parallel_loop3A_329] {strides = array<i32>} : memref<128x80xf32, #tpu.memory_space<vmem>>, vector<1x16xf32>,
        %parallel_loop3A_331 = vector.shape_cast %parallel_loop3A_330 : vector<1x16xf32> to vector<16xf32>
        %parallel_loop3A_332 = vector.shape_cast %parallel_loop3A_288 : vector<16xf32> to vector<1x16xf32>
        tpu.vector_store %arg23[%parallel_loop3A_328, %parallel_loop3A_329], %parallel_loop3A_332 {strides = array<i32>} : memref<128x80xf32, #tpu.memory_space<vmem>>, vector<1x16xf32>,
      } {sc.loop_unroll_factor = 4 : i64, sc.parallel_access}
      %dma_start3A_148 = arith.constant 0 : i32
      %dma_start3A_149 = arith.constant 0 : i32
      %dma_start3A_150 = tpu.memref_slice %arg18[%dma_start3A_148, %dma_start3A_149] : memref<10016x80xf32, #tpu.memory_space<vmem_shared>> -> memref<10016x80xf32, #tpu.memory_space<vmem_shared>>
      tpu.enqueue_indirect_dma source(%arg23 : memref<128x80xf32, #tpu.memory_space<vmem>>) target(%dma_start3A_150 : memref<10016x80xf32, #tpu.memory_space<vmem_shared>>) offsets(%arg24 : memref<128xi32, #tpu.memory_space<vmem>>) semaphore(%arg30 : memref<!tpu.dma_semaphore, #tpu.memory_space<semaphore_mem>>) {add = true}
    }
    %scan3A_53 = arith.constant 81 : i32
    %dma_wait3A_54 = arith.constant 0 : i32
    %dma_wait3A_55 = arith.constant 0 : i32
    %dma_wait3A_56 = tpu.memref_slice %arg18[%dma_wait3A_54, %dma_wait3A_55] : memref<10016x80xf32, #tpu.memory_space<vmem_shared>> -> memref<10016x80xf32, #tpu.memory_space<vmem_shared>>
    tpu.wait_indirect_dma semaphore(%arg29 : memref<!tpu.dma_semaphore, #tpu.memory_space<semaphore_mem>>) src(%arg16 : memref<128x80xf32, #tpu.memory_space<vmem>>) dst(%dma_wait3A_56 : memref<10016x80xf32, #tpu.memory_space<vmem_shared>>)
    %dma_wait3A_57 = arith.constant 0 : i32
    %dma_wait3A_58 = arith.constant 0 : i32
    %dma_wait3A_59 = tpu.memref_slice %arg18[%dma_wait3A_57, %dma_wait3A_58] : memref<10016x80xf32, #tpu.memory_space<vmem_shared>> -> memref<10016x80xf32, #tpu.memory_space<vmem_shared>>
    tpu.wait_indirect_dma semaphore(%arg30 : memref<!tpu.dma_semaphore, #tpu.memory_space<semaphore_mem>>) src(%arg23 : memref<128x80xf32, #tpu.memory_space<vmem>>) dst(%dma_wait3A_59 : memref<10016x80xf32, #tpu.memory_space<vmem_shared>>)
    %barrier3A_60 = arith.constant 0 : index
    tpu.barrier barrier_id(%barrier3A_60)
    "tpu.region"() ({
      %run_scoped3A = tpu.sem_alloc : memref<!tpu.dma_semaphore, #tpu.memory_space<semaphore_mem>>
      %dma_start3A_61 = arith.constant 0 : i32
      %dma_start3A_62 = tpu.memref_slice %arg10[%arg0, %mul3A_4, %dma_start3A_61] : memref<2x10016x80xf32, #tpu.memory_space<hbm>> -> memref<1x626x80xf32, #tpu.memory_space<hbm>>
      %dma_start3A_63 = tpu.memref_squeeze %dma_start3A_62 : memref<1x626x80xf32, #tpu.memory_space<hbm>> -> memref<626x80xf32, #tpu.memory_space<hbm>>
      %dma_start3A_64 = arith.constant 0 : i32
      %dma_start3A_65 = tpu.memref_slice %arg18[%mul3A_4, %dma_start3A_64] : memref<10016x80xf32, #tpu.memory_space<vmem_shared>> -> memref<626x80xf32, #tpu.memory_space<vmem_shared>>
      tpu.enqueue_dma source(%dma_start3A_65 : memref<626x80xf32, #tpu.memory_space<vmem_shared>>) target(%dma_start3A_63 : memref<626x80xf32, #tpu.memory_space<hbm>>) target_semaphore(%run_scoped3A : memref<!tpu.dma_semaphore, #tpu.memory_space<semaphore_mem>>)
      %dma_wait3A_66 = arith.constant 0 : i32
      %dma_wait3A_67 = tpu.memref_slice %arg10[%arg0, %mul3A_4, %dma_wait3A_66] : memref<2x10016x80xf32, #tpu.memory_space<hbm>> -> memref<1x626x80xf32, #tpu.memory_space<hbm>>
      %dma_wait3A_68 = tpu.memref_squeeze %dma_wait3A_67 : memref<1x626x80xf32, #tpu.memory_space<hbm>> -> memref<626x80xf32, #tpu.memory_space<hbm>>
      %dma_wait3A_69 = arith.constant 0 : i32
      %dma_wait3A_70 = tpu.memref_slice %arg18[%mul3A_4, %dma_wait3A_69] : memref<10016x80xf32, #tpu.memory_space<vmem_shared>> -> memref<626x80xf32, #tpu.memory_space<vmem_shared>>
      tpu.wait_dma2 semaphore(%run_scoped3A : memref<!tpu.dma_semaphore, #tpu.memory_space<semaphore_mem>>) src(%dma_wait3A_70 : memref<626x80xf32, #tpu.memory_space<vmem_shared>>) dst(%dma_wait3A_68 : memref<626x80xf32, #tpu.memory_space<hbm>>)
      tpu.yield
    }) : () -> ()
    return
  }
}

module attributes {stable_mosaic.version = 14 : i64} {
  func.func @_proj_body(%arg0: i32, %arg1: memref<2000x128xf32, #tpu.memory_space<vmem>>, %arg2: memref<1x128xf32, #tpu.memory_space<vmem>>, %arg3: memref<128x128xf32, #tpu.memory_space<vmem>>, %arg4: memref<128x128xf32, #tpu.memory_space<vmem>>, %arg5: memref<128x128xf32, #tpu.memory_space<vmem>>, %arg6: memref<2000x64xf32, #tpu.memory_space<vmem>>, %arg7: memref<2000x64xf32, #tpu.memory_space<vmem>>, %arg8: memref<2000x64xf32, #tpu.memory_space<vmem>>, %arg9: memref<2000x64xf32, #tpu.memory_space<vmem>>) attributes {dimension_semantics = [#tpu.dimension_semantics<arbitrary>], iteration_bounds = array<i64: 5>, scalar_prefetch = 0 : i64, scratch_operands = 0 : i64, tpu.core_type = #tpu.core_type<tc>, window_params = [{transform_indices = @transform_0, window_bounds = array<i64: 2000, 128>}, {pipeline_mode = #tpu.pipeline_mode<synchronous>, transform_indices = @transform_1, window_bounds = array<i64: 1, 128>}, {pipeline_mode = #tpu.pipeline_mode<synchronous>, transform_indices = @transform_2, window_bounds = array<i64: 128, 128>}, {pipeline_mode = #tpu.pipeline_mode<synchronous>, transform_indices = @transform_3, window_bounds = array<i64: 128, 128>}, {pipeline_mode = #tpu.pipeline_mode<synchronous>, transform_indices = @transform_4, window_bounds = array<i64: 128, 128>}, {transform_indices = @transform_5, window_bounds = array<i64: 2000, 64>}, {transform_indices = @transform_6, window_bounds = array<i64: 2000, 64>}, {transform_indices = @transform_7, window_bounds = array<i64: 2000, 64>}, {transform_indices = @transform_8, window_bounds = array<i64: 2000, 64>}]} {
    %get3A = arith.constant 0 : index
    %get3A_0 = arith.constant 0 : index
    %get3A_1 = vector.load %arg1[%get3A, %get3A_0] : memref<2000x128xf32, #tpu.memory_space<vmem>>, vector<2000x128xf32>
    %mul3A = arith.mulf %get3A_1, %get3A_1 : vector<2000x128xf32>
    %reduce_sum3A = arith.constant dense<0.000000e+00> : vector<2000xf32>
    %reduce_sum3A_2 = vector.multi_reduction <add>, %mul3A, %reduce_sum3A [1] : vector<2000x128xf32> to vector<2000xf32>
    %broadcast_in_dim3A = vector.shape_cast %reduce_sum3A_2 : vector<2000xf32> to vector<2000x1xf32>
    %div3A = arith.constant 1.280000e+02 : f32
    %div3A_3 = vector.broadcast %div3A : f32 to vector<2000x1xf32>
    %div3A_4 = arith.divf %broadcast_in_dim3A, %div3A_3 : vector<2000x1xf32>
    %add3A = arith.constant 9.99999997E-7 : f32
    %add3A_5 = vector.broadcast %add3A : f32 to vector<2000x1xf32>
    %add3A_6 = arith.addf %div3A_4, %add3A_5 : vector<2000x1xf32>
    %rsqrt3A = math.rsqrt %add3A_6 : vector<2000x1xf32>
    %mul3A_7 = vector.broadcast %rsqrt3A : vector<2000x1xf32> to vector<2000x128xf32>
    %mul3A_8 = arith.mulf %get3A_1, %mul3A_7 : vector<2000x128xf32>
    %get3A_9 = arith.constant 0 : index
    %get3A_10 = arith.constant 0 : index
    %get3A_11 = vector.load %arg2[%get3A_9, %get3A_10] : memref<1x128xf32, #tpu.memory_space<vmem>>, vector<1x128xf32>
    %mul3A_12 = vector.broadcast %get3A_11 : vector<1x128xf32> to vector<2000x128xf32>
    %mul3A_13 = arith.mulf %mul3A_8, %mul3A_12 : vector<2000x128xf32>
    %get3A_14 = arith.constant 0 : index
    %get3A_15 = arith.constant 0 : index
    %get3A_16 = vector.load %arg3[%get3A_14, %get3A_15] : memref<128x128xf32, #tpu.memory_space<vmem>>, vector<128x128xf32>
    %dot_general3A = arith.constant dense<0.000000e+00> : vector<2000x128xf32>
    %dot_general3A_17 = tpu.matmul %mul3A_13, %get3A_16, %dot_general3A {dimension_numbers = #tpu.dot_dimension_numbers<[1], [0], [0], [1], [0, 0, 1, 1], [], []>, transpose_lhs_hint = false} : vector<2000x128xf32>, vector<128x128xf32>, vector<2000x128xf32> -> vector<2000x128xf32>
    %get3A_18 = arith.constant 0 : index
    %get3A_19 = arith.constant 0 : index
    %get3A_20 = vector.load %arg4[%get3A_18, %get3A_19] : memref<128x128xf32, #tpu.memory_space<vmem>>, vector<128x128xf32>
    %dot_general3A_21 = arith.constant dense<0.000000e+00> : vector<2000x128xf32>
    %dot_general3A_22 = tpu.matmul %dot_general3A_17, %get3A_20, %dot_general3A_21 {dimension_numbers = #tpu.dot_dimension_numbers<[1], [0], [0], [1], [0, 0, 1, 1], [], []>, transpose_lhs_hint = false} : vector<2000x128xf32>, vector<128x128xf32>, vector<2000x128xf32> -> vector<2000x128xf32>
    %get3A_23 = arith.constant 0 : index
    %get3A_24 = arith.constant 0 : index
    %get3A_25 = vector.load %arg5[%get3A_23, %get3A_24] : memref<128x128xf32, #tpu.memory_space<vmem>>, vector<128x128xf32>
    %dot_general3A_26 = arith.constant dense<0.000000e+00> : vector<2000x128xf32>
    %dot_general3A_27 = tpu.matmul %dot_general3A_17, %get3A_25, %dot_general3A_26 {dimension_numbers = #tpu.dot_dimension_numbers<[1], [0], [0], [1], [0, 0, 1, 1], [], []>, transpose_lhs_hint = false} : vector<2000x128xf32>, vector<128x128xf32>, vector<2000x128xf32> -> vector<2000x128xf32>
    %slice3A = vector.extract_strided_slice %dot_general3A_22 {offsets = [0, 0], sizes = [2000, 64], strides = [1, 1]} : vector<2000x128xf32> to vector<2000x64xf32>
    %swap3A = arith.constant 0 : index
    %swap3A_28 = arith.constant 0 : index
    %swap3A_29 = vector.load %arg6[%swap3A, %swap3A_28] : memref<2000x64xf32, #tpu.memory_space<vmem>>, vector<2000x64xf32>
    tpu.vector_store %arg6[%swap3A, %swap3A_28], %slice3A {strides = array<i32>} : memref<2000x64xf32, #tpu.memory_space<vmem>>, vector<2000x64xf32>,
    %slice3A_30 = vector.extract_strided_slice %dot_general3A_22 {offsets = [0, 64], sizes = [2000, 64], strides = [1, 1]} : vector<2000x128xf32> to vector<2000x64xf32>
    %swap3A_31 = arith.constant 0 : index
    %swap3A_32 = arith.constant 0 : index
    %swap3A_33 = vector.load %arg7[%swap3A_31, %swap3A_32] : memref<2000x64xf32, #tpu.memory_space<vmem>>, vector<2000x64xf32>
    tpu.vector_store %arg7[%swap3A_31, %swap3A_32], %slice3A_30 {strides = array<i32>} : memref<2000x64xf32, #tpu.memory_space<vmem>>, vector<2000x64xf32>,
    %slice3A_34 = vector.extract_strided_slice %dot_general3A_27 {offsets = [0, 0], sizes = [2000, 64], strides = [1, 1]} : vector<2000x128xf32> to vector<2000x64xf32>
    %swap3A_35 = arith.constant 0 : index
    %swap3A_36 = arith.constant 0 : index
    %swap3A_37 = vector.load %arg8[%swap3A_35, %swap3A_36] : memref<2000x64xf32, #tpu.memory_space<vmem>>, vector<2000x64xf32>
    tpu.vector_store %arg8[%swap3A_35, %swap3A_36], %slice3A_34 {strides = array<i32>} : memref<2000x64xf32, #tpu.memory_space<vmem>>, vector<2000x64xf32>,
    %slice3A_38 = vector.extract_strided_slice %dot_general3A_27 {offsets = [0, 64], sizes = [2000, 64], strides = [1, 1]} : vector<2000x128xf32> to vector<2000x64xf32>
    %swap3A_39 = arith.constant 0 : index
    %swap3A_40 = arith.constant 0 : index
    %swap3A_41 = vector.load %arg9[%swap3A_39, %swap3A_40] : memref<2000x64xf32, #tpu.memory_space<vmem>>, vector<2000x64xf32>
    tpu.vector_store %arg9[%swap3A_39, %swap3A_40], %slice3A_38 {strides = array<i32>} : memref<2000x64xf32, #tpu.memory_space<vmem>>, vector<2000x64xf32>,
    return
  }
  func.func @transform_0(%arg0: i32) -> (i32, i32) {
    %c0_i32 = arith.constant 0 : i32
    %c0_i32_0 = arith.constant 0 : i32
    return %arg0, %c0_i32 : i32, i32
  }
  func.func @transform_1(%arg0: i32) -> (i32, i32) {
    %c0_i32 = arith.constant 0 : i32
    %c0_i32_0 = arith.constant 0 : i32
    %c0_i32_1 = arith.constant 0 : i32
    return %c0_i32, %c0_i32_0 : i32, i32
  }
  func.func @transform_2(%arg0: i32) -> (i32, i32) {
    %c0_i32 = arith.constant 0 : i32
    %c0_i32_0 = arith.constant 0 : i32
    %c0_i32_1 = arith.constant 0 : i32
    return %c0_i32, %c0_i32_0 : i32, i32
  }
  func.func @transform_3(%arg0: i32) -> (i32, i32) {
    %c0_i32 = arith.constant 0 : i32
    %c0_i32_0 = arith.constant 0 : i32
    %c0_i32_1 = arith.constant 0 : i32
    return %c0_i32, %c0_i32_0 : i32, i32
  }
  func.func @transform_4(%arg0: i32) -> (i32, i32) {
    %c0_i32 = arith.constant 0 : i32
    %c0_i32_0 = arith.constant 0 : i32
    %c0_i32_1 = arith.constant 0 : i32
    return %c0_i32, %c0_i32_0 : i32, i32
  }
  func.func @transform_5(%arg0: i32) -> (i32, i32) {
    %c0_i32 = arith.constant 0 : i32
    %c0_i32_0 = arith.constant 0 : i32
    return %arg0, %c0_i32 : i32, i32
  }
  func.func @transform_6(%arg0: i32) -> (i32, i32) {
    %c0_i32 = arith.constant 0 : i32
    %c0_i32_0 = arith.constant 0 : i32
    return %arg0, %c0_i32 : i32, i32
  }
  func.func @transform_7(%arg0: i32) -> (i32, i32) {
    %c0_i32 = arith.constant 0 : i32
    %c0_i32_0 = arith.constant 0 : i32
    return %arg0, %c0_i32 : i32, i32
  }
  func.func @transform_8(%arg0: i32) -> (i32, i32) {
    %c0_i32 = arith.constant 0 : i32
    %c0_i32_0 = arith.constant 0 : i32
    return %arg0, %c0_i32 : i32, i32
  }
}

module attributes {stable_mosaic.version = 14 : i64} {
  func.func @_final_body(%arg0: i32, %arg1: memref<1x1000x80xf32, #tpu.memory_space<vmem>>, %arg2: memref<1x1000x80xf32, #tpu.memory_space<vmem>>, %arg3: memref<128x128xf32, #tpu.memory_space<vmem>>, %arg4: memref<1000x128xf32, #tpu.memory_space<vmem>>) attributes {dimension_semantics = [#tpu.dimension_semantics<arbitrary>], iteration_bounds = array<i64: 10>, scalar_prefetch = 0 : i64, scratch_operands = 0 : i64, tpu.core_type = #tpu.core_type<tc>, window_params = [{transform_indices = @transform_0, window_bounds = array<i64: 1, 1000, 80>}, {transform_indices = @transform_1, window_bounds = array<i64: 1, 1000, 80>}, {pipeline_mode = #tpu.pipeline_mode<synchronous>, transform_indices = @transform_2, window_bounds = array<i64: 128, 128>}, {transform_indices = @transform_3, window_bounds = array<i64: 1000, 128>}]} {
    %get3A = arith.constant 0 : index
    %get3A_0 = arith.constant 0 : index
    %get3A_1 = arith.constant 0 : index
    %get3A_2 = vector.load %arg1[%get3A, %get3A_0, %get3A_1] : memref<1x1000x80xf32, #tpu.memory_space<vmem>>, vector<1x1000x80xf32>
    %get3A_3 = vector.shape_cast %get3A_2 : vector<1x1000x80xf32> to vector<1000x80xf32>
    %get3A_4 = arith.constant 0 : index
    %get3A_5 = arith.constant 0 : index
    %get3A_6 = arith.constant 0 : index
    %get3A_7 = vector.load %arg2[%get3A_4, %get3A_5, %get3A_6] : memref<1x1000x80xf32, #tpu.memory_space<vmem>>, vector<1x1000x80xf32>
    %get3A_8 = vector.shape_cast %get3A_7 : vector<1x1000x80xf32> to vector<1000x80xf32>
    %slice3A = vector.extract_strided_slice %get3A_3 {offsets = [0, 0], sizes = [1000, 64], strides = [1, 1]} : vector<1000x80xf32> to vector<1000x64xf32>
    %slice3A_9 = vector.extract_strided_slice %get3A_8 {offsets = [0, 0], sizes = [1000, 64], strides = [1, 1]} : vector<1000x80xf32> to vector<1000x64xf32>
    %concatenate3A = tpu.concatenate %slice3A, %slice3A_9 in 1 : vector<1000x64xf32>, vector<1000x64xf32> -> vector<1000x128xf32>
    %slice3A_10 = vector.extract_strided_slice %get3A_3 {offsets = [0, 64], sizes = [1000, 1], strides = [1, 1]} : vector<1000x80xf32> to vector<1000x1xf32>
    %broadcast_in_dim3A = vector.shape_cast %slice3A_10 : vector<1000x1xf32> to vector<1000x1xf32>
    %broadcast_in_dim3A_11 = vector.broadcast %broadcast_in_dim3A : vector<1000x1xf32> to vector<1000x32xf32>
    %slice3A_12 = vector.extract_strided_slice %get3A_3 {offsets = [0, 72], sizes = [1000, 1], strides = [1, 1]} : vector<1000x80xf32> to vector<1000x1xf32>
    %broadcast_in_dim3A_13 = vector.shape_cast %slice3A_12 : vector<1000x1xf32> to vector<1000x1xf32>
    %broadcast_in_dim3A_14 = vector.broadcast %broadcast_in_dim3A_13 : vector<1000x1xf32> to vector<1000x32xf32>
    %slice3A_15 = vector.extract_strided_slice %get3A_8 {offsets = [0, 64], sizes = [1000, 1], strides = [1, 1]} : vector<1000x80xf32> to vector<1000x1xf32>
    %broadcast_in_dim3A_16 = vector.shape_cast %slice3A_15 : vector<1000x1xf32> to vector<1000x1xf32>
    %broadcast_in_dim3A_17 = vector.broadcast %broadcast_in_dim3A_16 : vector<1000x1xf32> to vector<1000x32xf32>
    %slice3A_18 = vector.extract_strided_slice %get3A_8 {offsets = [0, 72], sizes = [1000, 1], strides = [1, 1]} : vector<1000x80xf32> to vector<1000x1xf32>
    %broadcast_in_dim3A_19 = vector.shape_cast %slice3A_18 : vector<1000x1xf32> to vector<1000x1xf32>
    %broadcast_in_dim3A_20 = vector.broadcast %broadcast_in_dim3A_19 : vector<1000x1xf32> to vector<1000x32xf32>
    %concatenate3A_21 = tpu.concatenate %broadcast_in_dim3A_11, %broadcast_in_dim3A_14, %broadcast_in_dim3A_17, %broadcast_in_dim3A_20 in 1 : vector<1000x32xf32>, vector<1000x32xf32>, vector<1000x32xf32>, vector<1000x32xf32> -> vector<1000x128xf32>
    %div3A = arith.divf %concatenate3A, %concatenate3A_21 : vector<1000x128xf32>
    %get3A_22 = arith.constant 0 : index
    %get3A_23 = arith.constant 0 : index
    %get3A_24 = vector.load %arg3[%get3A_22, %get3A_23] : memref<128x128xf32, #tpu.memory_space<vmem>>, vector<128x128xf32>
    %dot_general3A = arith.constant dense<0.000000e+00> : vector<1000x128xf32>
    %dot_general3A_25 = tpu.matmul %div3A, %get3A_24, %dot_general3A {dimension_numbers = #tpu.dot_dimension_numbers<[1], [0], [0], [1], [0, 0, 1, 1], [], []>, transpose_lhs_hint = false} : vector<1000x128xf32>, vector<128x128xf32>, vector<1000x128xf32> -> vector<1000x128xf32>
    %swap3A = arith.constant 0 : index
    %swap3A_26 = arith.constant 0 : index
    %swap3A_27 = vector.load %arg4[%swap3A, %swap3A_26] : memref<1000x128xf32, #tpu.memory_space<vmem>>, vector<1000x128xf32>
    tpu.vector_store %arg4[%swap3A, %swap3A_26], %dot_general3A_25 {strides = array<i32>} : memref<1000x128xf32, #tpu.memory_space<vmem>>, vector<1000x128xf32>,
    return
  }
  func.func @transform_0(%arg0: i32) -> (i32, i32, i32) {
    %c0_i32 = arith.constant 0 : i32
    %c0_i32_0 = arith.constant 0 : i32
    %c0_i32_1 = arith.constant 0 : i32
    return %c0_i32, %arg0, %c0_i32_0 : i32, i32, i32
  }
  func.func @transform_1(%arg0: i32) -> (i32, i32, i32) {
    %c1_i32 = arith.constant 1 : i32
    %c0_i32 = arith.constant 0 : i32
    %c0_i32_0 = arith.constant 0 : i32
    return %c1_i32, %arg0, %c0_i32 : i32, i32, i32
  }
  func.func @transform_2(%arg0: i32) -> (i32, i32) {
    %c0_i32 = arith.constant 0 : i32
    %c0_i32_0 = arith.constant 0 : i32
    %c0_i32_1 = arith.constant 0 : i32
    return %c0_i32, %c0_i32_0 : i32, i32
  }
  func.func @transform_3(%arg0: i32) -> (i32, i32) {
    %c0_i32 = arith.constant 0 : i32
    %c0_i32_0 = arith.constant 0 : i32
    return %arg0, %c0_i32 : i32, i32
  }
}

</mosaic_0001>

<sc_bundles>
// kernel: kernel.5.cloned.1.call-start
scs
__scs_entry_jumppad:
0x0: {  	(pc) =	sbr.rel $0x88, $3  }
0x1: {  	(tag) =	ssettag $0x0;
	lr =	simm.s32 $0x1  }
0x2: {  	[smem:$0x3F99] =	sst lr;
	_ =	strace $0xD0000000  }
0x3: {  	_ = 	snop  }
0x4: {  	_ = 	snop  }
0x5: {  	_ = 	snop  }
0x6: {  	_ = 	snop  }
0x7: {  	_ = 	snop  }
__scs_overlays_trampoline_lowered:
0x8: {  	[smem:$0x3FA8] =	sst s0  }
0x9: {  	[smem:$0x3FA9] =	sst s1  }
0xa: {  	[smem:$0x3FAA] =	sst s2  }
0xb: {  	[smem:$0x3FAB] =	sst s3  }
0xc: {  	[smem:$0x3FAC] =	sst s4  }
0xd: {  	[smem:$0x3FAD] =	sst s5  }
0xe: {  	[smem:$0x3FAE] =	sst s6  }
0xf: {  	[smem:$0x3FAF] =	sst s7  }
0x10: {  	[smem:$0x3FB0] =	sst s8  }
0x11: {  	[smem:$0x3FB1] =	sst s9;
	s0 =	simm.s32 @!p0 $0x0  }
0x12: {  	s1 =	sld [smem:$0x3F97];
	s0 =	simm.s32 @p0 $0x1  }
0x13: {  	[smem:$0x3FB2] =	sst s0;
	s0 =	simm.s32 @!p1 $0x0  }
0x14: {  	s2 =	sld [smem:$0x3F96];
	s0 =	simm.s32 @p1 $0x1  }
0x15: {  	[smem:$0x3FB3] =	sst s0;
	s0 =	simm.s32 @!p2 $0x0  }
0x16: {  	s3 =	sld [smem:$0x3FDB];
	s0 =	simm.s32 @p2 $0x1  }
0x17: {  	s4 =	simm.s32 $0x1BF5;
	[smem:$0x3FB5] =	sst s0  }
0x18: {  	s0 =	sld [smem:$0x3F98];
	_ =	swait.ge [sflag:s4], $0x0  }
0x19: {  	s7 =	sld [smem:$0x3F99]  }
0x1a: {  	s8 =	sadd.s32 $0xFFFFE003, lr  }
0x1b: {  	s9 =	sadd.s32 $0xFFFFFEF7, lr;
	s5 =	simm.s32 $0xFFFFFFFF;
	p2 =	slt.u32 s8, $0xFFFFF086  }
0x1c: {  	p1 =	slt.u32 s9, $0xF7A;
	s5 =	simm.s32 @!p2 $0x0  }
0x1d: {  	s5 =	simm.s32 @p1 $0x1;
	p0 =	seq.s32 s7, s2  }
0x1e: {  	s7 =	smul.u32 @!p0 $0xF7A, s2;
	p2 =	seq.s32 @!p0 s5, $0x0  }
0x1f: {  	s9 =	smul.u32 $0xF7A, s1;
	s8 =	simm.s32 @!p0 $0x1BF5;
	p2 =	por !p2, p0  }
0x20: {  	[sflag:s8] =	ssyncset.s32 @!p0 $0xFFFFF086;
	s6 =	sadd.s32 @!p0 s3, s7;
	s7 =	simm.s32 @!p0 $0x108  }
0x21: {  	s3 =	sadd.s32 s3, s9;
	s6 =	sadd.s32 @!p0 $0x88, s6;
	s7 =	simm.s32 @p2 $0x1082  }
0x22: {  	[simem:s7], [sflag:s8] =	dma.local @!p0 [hbm:s6], $0xF7A  }
0x23: {  	s9 =	sor.u32 $0xD0000000, s2;
	s6 =	simm.s32 $0x108;
	_ =	swait.ge @!p0 [sflag:s8], $0x0  }
0x24: {  	s3 =	sadd.s32 $0x88, s3;
	s6 =	simm.s32 @!p1 $0x1082;
	[sflag:s4] =	ssyncset.s32 $0xFFFFF086  }
0x25: {  	[simem:s6], [sflag:s4] =	dma.local [hbm:s3], $0xF7A  }
0x26: {  	[smem:$0x3F99] =	sst s1;
	(tag) =	ssettag s2;
	_ =	strace s9  }
0x27: {  	s1 =	sld [smem:$0x3FA9]  }
0x28: {  	s2 =	sld [smem:$0x3FAA]  }
0x29: {  	s4 =	sld [smem:$0x3FAC]  }
0x2a: {  	p0 =	seq.s32 s5, $0x0;
	s5 =	sld [smem:$0x3FAD]  }
0x2b: {  	s6 =	sld [smem:$0x3FAE]  }
0x2c: {  	s7 =	sld [smem:$0x3FAF]  }
0x2d: {  	s3 =	simm.s32 $0x108;
	s8 =	sld [smem:$0x3FB0]  }
0x2e: {  	s3 =	simm.s32 @!p0 $0x1082;
	s9 =	sld [smem:$0x3FB1]  }
0x2f: {  	lr =	sadd.s32 s0, s3;
	s0 =	sld [smem:$0x3FA8]  }
0x30: {  	s3 =	sld [smem:$0x3FAB]  }
0x31: {  	[smem:$0x3FB4] =	sst s10  }
0x32: {  	s10 =	sld [smem:$0x3FB2];
	_ =	sdelay $0x3  }
0x33: {  	p0 =	seq.s32 s10, $0x1;
	s10 =	sld [smem:$0x3FB4];
	_ =	sdelay $0x3  }
0x34: {  	[smem:$0x3FB4] =	sst s10  }
0x35: {  	s10 =	sld [smem:$0x3FB3];
	_ =	sdelay $0x3  }
0x36: {  	p1 =	seq.s32 s10, $0x1;
	s10 =	sld [smem:$0x3FB4];
	_ =	sdelay $0x3  }
0x37: {  	[smem:$0x3FB4] =	sst s10  }
0x38: {  	s10 =	sld [smem:$0x3FB5]  }
0x39: {  	_ = 	snop;
	(pc) =	sbr.ind lr, $3  }
0x3a: {  	_ = 	snop  }
0x3b: {  	_ = 	snop  }
0x3c: {  	p2 =	seq.s32 s10, $0x1;
	s10 =	sld [smem:$0x3FB4]  }
0x3d: {  	_ =	shalt  }
0x3e: {  	_ =	shalt  }
0x3f: {  	_ =	shalt  }
0x40: {  	_ =	shalt  }
0x41: {  	_ =	shalt  }
0x42: {  	_ =	shalt  }
0x43: {  	_ =	shalt  }
0x44: {  	_ =	shalt  }
0x45: {  	_ =	shalt  }
0x46: {  	_ =	shalt  }
0x47: {  	_ =	shalt  }
0x48: {  	_ =	shalt  }
0x49: {  	_ =	shalt  }
0x4a: {  	_ =	shalt  }
0x4b: {  	_ =	shalt  }
0x4c: {  	_ =	shalt  }
0x4d: {  	_ =	shalt  }
0x4e: {  	_ =	shalt  }
0x4f: {  	_ =	shalt  }
0x50: {  	_ =	shalt  }
0x51: {  	_ =	shalt  }
0x52: {  	_ =	shalt  }
0x53: {  	_ =	shalt  }
0x54: {  	_ =	shalt  }
0x55: {  	_ =	shalt  }
0x56: {  	_ =	shalt  }
0x57: {  	_ =	shalt  }
0x58: {  	_ =	shalt  }
0x59: {  	_ =	shalt  }
0x5a: {  	_ =	shalt  }
0x5b: {  	_ =	shalt  }
0x5c: {  	_ =	shalt  }
0x5d: {  	_ =	shalt  }
0x5e: {  	_ =	shalt  }
0x5f: {  	_ =	shalt  }
0x60: {  	_ =	shalt  }
0x61: {  	_ =	shalt  }
0x62: {  	_ =	shalt  }
0x63: {  	_ =	shalt  }
0x64: {  	_ =	shalt  }
0x65: {  	_ =	shalt  }
0x66: {  	_ =	shalt  }
0x67: {  	_ =	shalt  }
0x68: {  	_ =	shalt  }
0x69: {  	_ =	shalt  }
0x6a: {  	_ =	shalt  }
0x6b: {  	_ =	shalt  }
0x6c: {  	_ =	shalt  }
0x6d: {  	_ =	shalt  }
0x6e: {  	_ =	shalt  }
0x6f: {  	_ =	shalt  }
0x70: {  	_ =	shalt  }
0x71: {  	_ =	shalt  }
0x72: {  	_ =	shalt  }
0x73: {  	_ =	shalt  }
0x74: {  	_ =	shalt  }
0x75: {  	_ =	shalt  }
0x76: {  	_ =	shalt  }
0x77: {  	_ =	shalt  }
0x78: {  	_ =	shalt  }
0x79: {  	_ =	shalt  }
0x7a: {  	_ =	shalt  }
0x7b: {  	_ =	shalt  }
0x7c: {  	_ =	shalt  }
0x7d: {  	_ =	shalt  }
0x7e: {  	_ =	shalt  }
0x7f: {  	_ =	shalt  }
0x80: {  	_ =	shalt  }
0x81: {  	_ =	shalt  }
0x82: {  	_ =	shalt  }
0x83: {  	_ =	shalt  }
0x84: {  	_ =	shalt  }
0x85: {  	_ =	shalt  }
0x86: {  	_ =	shalt  }
0x87: {  	_ =	shalt  }
.Lfunc_end0:
.L_simem_size_0:
called_computation_lowered:
.L_overlay_start_0:
0x88: {  	s2 =	sld [smem:$0x3FD9]  }
0x89: {  	s3 =	sld [smem:$0x3FFE];
	_ =	sdelay $0x1  }
0x8a: {  	s1 =	srdreg.scid  }
0x8b: {  	s0 =	sand.u32 $0x1, s1  }
0x8c: {  	s17 =	sshll.u32 s0, $0xA;
	s2 =	sadd.s32 s3, s2  }
0x8d: {  	s2 =	sadd.s32 s2, s17  }
0x8e: {  	[smem:$0x3FC0] =	sst s2  }
0x8f: {  	_ = 	snop  }
0x90: {  	s2 =	sld [smem:$0x3FD0];
	(tm) =	ssettm $0x1  }
0x91: {  	s18 =	sld [smem:$0x3FFB];
	_ =	sdelay $0x3  }
0x92: {  	_ =	strace s18  }
0x93: {  	s3 =	sld [smem:$0x3FFC];
	_ =	sdelay $0x3  }
0x94: {  	_ =	strace s3  }
0x95: {  	s3 =	sld [smem:$0x3FFD];
	_ =	sdelay $0x3  }
0x96: {  	_ =	strace s3  }
0x97: {  	_ =	strace $0x8FFFFFFF  }
0x98: {  	s19 =	sld [smem:$0x3FDB];
	_ =	sdelay $0x1  }
0x99: {  	s4 =	simm.s32 $_scs_section_size  }
0x9a: {  	s5 =	simm.s32 $_size__tile_overlayer_lowered;
	s6 =	simm.s32 $_tile_overlayer_lowered  }
0x9b: {  	s22 =	simm.s32 $0x1BFF;
	s21 =	sshll.u32 s6, $0x1;
	s3 =	sadd.s32 s4, s19  }
0x9c: {  	s7 =	simm.s32 $0x0;
	s20 =	sshll.u32 s5, $0x1;
	s5 =	sadd.s32 s21, s3  }
0x9d: {  	[timem:s7], [sflag:s22] =	dma.local [hbm:s5], s20  }
0x9e: {  	_ =	swait.ge [sflag:s22], s20  }
0x9f: {  	s4 =	ssub.s32 $0x0, s20;
	[sflag:s22] =	ssyncset.done $0x0  }
0xa0: {  	[sflag:s22] =	ssyncadd.s32 s4;
	_ =	sdelay $0x1  }
0xa1: {  	s23 =	simm.s32 $0x1B8B  }
0xa2: {  	_ =	swait.ge [sflag:s23], $0x1  }
0xa3: {  	[sflag:s23] =	ssyncset.done $0x0  }
0xa4: {  	s25 =	simm.s32 $0x1B8E;
	s24 =	sld [smem:$0x3FFE];
	[sflag:s23] =	ssyncadd.s32 $0xFFFFFFFF  }
0xa5: {  	s26 =	simm.s32 $execute0_lowered;
	[smem:$0x3FD2] =	sst s25  }
0xa6: {  	s5 =	sshll.u32 s26, $0x1;
	_ =	strace $0x80000046;
	[dreg:$0x1] =	wrdreg $0xFFFFFFFF  }
0xa7: {  	s28 =	simm.s32 $_size_execute0_lowered;
	s3 =	sadd.s32 s3, s5;
	[dreg:$0x0] =	wrdreg $0x0  }
0xa8: {  	s5 =	sshll.u32 s28, $0x1;
	[dreg:$0x2] =	wrdreg s3  }
0xa9: {  	[dreg:$0x3] =	wrdreg s5  }
0xaa: {  	[dreg:$0x4] =	wrdreg $0xC0  }
0xab: {  	_ =	task [dreg:s7], $0x5FFFF  }
0xac: {  	[dreg:$0x1] =	wrdreg $0xFFFFFFFF  }
0xad: {  	[dreg:$0x0] =	wrdreg $0x60  }
0xae: {  	[dreg:$0x2] =	wrdreg s2  }
0xaf: {  	[dreg:$0x3] =	wrdreg s24  }
0xb0: {  	[dreg:$0x4] =	wrdreg $0x6A000  }
0xb1: {  	[dreg:$0x5] =	wrdreg $0x9  }
0xb2: {  	_ =	task.clear_ibuf [dreg:s7], $0x6FFFF;
	_ =	strace $0x90000046  }
0xb3: {  	s29 =	simm.s32 $0x9;
	_ =	strace $0x80000048  }
0xb4: {  	_ =	swait.ge [sflag:s29], $0x1  }
0xb5: {  	[sflag:s29] =	ssyncadd.s32 $0xFFFFFFFF  }
0xb6: {  	_ =	strace $0x90000048  }
0xb7: {  	_ =	sfence  }
0xb8: {  	s30 =	sld [smem:$0x0];
	_ =	sdelay $0x2  }
0xb9: {  	s31 =	sshll.u32 s1, $0xD;
	s1 =	sshrl.u32 s1, $0x2  }
0xba: {  	s3 =	sand.u32 $0x4000, s31;
	s1 =	sadd.s32 s1, s30  }
0xbb: {  	s0 =	sor.u32 s3, s0;
	s1 =	sshll.u32 s1, $0x11  }
0xbc: {  	s0 =	sor.u32 s1, s0  }
0xbd: {  	s0 =	sadd.s32 $0x8F2B, s0  }
0xbe: {  	[sflag:s0] =	ssyncadd.remote.s32 $0x1  }
0xbf: {  	_ =	sfence.sel $0xFFFF  }
0xc0: {  	[dreg:$0x0] =	wrdreg $0xFFFFFFFF;
	(pc) =	sbr.abs _section_cstart, $3  }
0xc1: {  	[dreg:$0x1] =	wrdreg $0xFFFFFFFF  }
0xc2: {  	_ =	task.clear_ibuf [dreg:s7], $0x2FFFF;
	_ =	strace $0x9FFFFFFF  }
0xc3: {  	(tm) =	ssettm $0x7FFFFFFF  }
tec
execute0_lowered:
.L_overlay_start_1:
0x0: {  	(tag) =	ssettag $0x1  }
0x1: {  	s0 =	rddreg [dreg:$0x0]  }
0x2: {  	s1 =	rddreg [dreg:$0x1]  }
0x3: {  	s2 =	rddreg [dreg:$0x2]  }
0x4: {  	s3 =	simm.s32 $0x0;
	s4 =	srdreg.scid;
	s15 =	stileid.u32  }
0x5: {  	s28 =	simm.s32 $0x5;
	s30 =	simm.s32 $0x80;
	s29 =	simm.s32 $0x12DA0  }
0x6: {  	s31 =	simm.s32 $0x12E20;
	[smem:$0x7FF] =	sst s3;
	s9 =	sand.u32 $0x1, s4  }
0x7: {  	s10 =	smul.u32 $0xC3A0, s15;
	s4 =	sadd.s32 $0x14E00, s1;
	s11 =	sadd.s32 $0x28800, s1  }
0x8: {  	s5 =	sadd.s32 $0x3C200, s1;
	s6 =	sadd.s32 $0xA00, s1;
	s13 =	smul.u32 $0x30E80, s15  }
0x9: {  	s7 =	sadd.s32 $0xAC00, s1;
	s14 =	sadd.s32 $0x4FC00, s1;
	s15 =	smul.u32 $0x5100, s15  }
0xa: {  	_ =	strace $0x80000047;
	s8 =	smul.u32 $0xC3A00, s9;
	s25 =	ssub.s32 $0x2, s9  }
0xb: {  	[dreg:$0x4] =	wrdreg s14;
	p0 =	seq.s32 s9, $0x0;
	s26 =	sshrl.u32 s25, $0x1  }
0xc: {  	s13 =	sshrl.u32 s13, $0x2;
	s18 =	sshrl.u32 s15, $0x3;
	s4 =	smov.u32 @p0 s0  }
0xd: {  	s5 =	smov.u32 @p0 s11;
	s0 =	simm.s32 $0x2;
	s11 =	simm.s32 $0x1  }
0xe: {  	v0 =	vimm.s32 $0xBA98FEDC;
	v1 =	vimm.s32 $0x32107654;
	s12 =	sadd.s32 s10, s8;
	s8 =	sadd.s32 $0x4FE00, s1;
	s19 =	sadd.s32 s6, s18  }
0xf: {  	v0 =	vunpack.c.l.s4.s8 v0;
	v1 =	vunpack.c.l.s4.s8 v1;
	s13 =	sadd.s32 s13, s2;
	s20 =	sadd.s32 s7, s18;
	[dreg:$0x9] =	wrdreg s19  }
0x10: {  	s10 =	sadd.s32 s10, s2;
	s16 =	sadd.s32 $0x2800, s13;
	[dreg:$0xa] =	wrdreg s20  }
0x11: {  	v2 =	vimm.s32 $0xFEDCBA98;
	v0 =	vunpack.c.0.s8.s32 v0;
	v1 =	vunpack.c.0.s8.s32 v1;
	s21 =	sor.u32 $0x10, s18;
	s17 =	sadd.s32 $0x5000, s13;
	[dreg:$0x5] =	wrdreg s16  }
0x12: {  	v3 =	vimm.s32 $0x76543210;
	v4 =	vimm.s32 $0xDCFE98BA;
	v6 =	vimm.s32 $0x67452301;
	s12 =	sshrl.u32 s12, $0x3;
	s14 =	sadd.s32 s8, s18;
	[dreg:$0x6] =	wrdreg s17  }
0x13: {  	vm0 =	vmmov $0xff;
	s22 =	sadd.s32 s6, s21;
	s23 =	sadd.s32 s7, s21;
	v5 =	vcombine.low v1, v0;
	v1 =	vimm.s32 $0x54761032;
	[dreg:$0xb] =	wrdreg s14  }
0x14: {  	s24 =	sadd.s32 s8, s21;
	v0 =	vunpack.c.l.s4.s8 v4;
	s21 =	sadd.s32 $0x100, s15;
	v4 =	vimm.s32 $0xEFCDAB89;
	[dreg:$0xc] =	wrdreg s22;
	v1 =	vunpack.c.l.s4.s8 v1  }
0x15: {  	v2 =	vunpack.c.l.s4.s8 v2;
	v6 =	vunpack.c.l.s4.s8 v6;
	s1 =	sadd.s32 s12, s1;
	s12 =	ssub.s32 s25, s26;
	[dreg:$0xd] =	wrdreg s23;
	v4 =	vunpack.c.l.s4.s8 v4  }
0x16: {  	v3 =	vunpack.c.l.s4.s8 v3;
	s16 =	sadd.s32 $0x7800, s13;
	s13 =	sadd.s32 $0xA000, s13;
	[dreg:$0xe] =	wrdreg s24;
	v0 =	vunpack.c.0.s8.s32 v0;
	v1 =	vunpack.c.0.s8.s32 v1  }
0x17: {  	v2 =	vunpack.c.0.s8.s32 v2;
	v6 =	vunpack.c.0.s8.s32 v6;
	s22 =	sshll.u32 s9, $0x6;
	s23 =	sadd.s32 $0x180, s15;
	[dreg:$0x7] =	wrdreg s16;
	v4 =	vunpack.c.0.s8.s32 v4  }
0x18: {  	v3 =	vunpack.c.0.s8.s32 v3;
	s9 =	simm.s32 $0x14EA0;
	s14 =	simm.s32 $0x16EA0;
	[dreg:$0x8] =	wrdreg s13;
	v7 =	vcombine.low v1, v0;
	v0 =	vimm.f32 $0.0e+00  }
0x19: {  	s25 =	sadd.s32 $0x5A000, s1;
	s26 =	smax.u32 s12, $0x1;
	s1 =	simm.s32 $0x12EA0;
	v1 =	vand.u32 $0xF, v2;
	v4 =	vcombine.low v6, v4;
	v6 =	vlaneseq.u32  }
0x1a: {  	s12 =	simm.s32 $0x100;
	s13 =	simm.s32 $0x196A0;
	[dreg:$0xf] =	wrdreg s25;
	v2 =	vand.u32 $0xF, v5;
	v1 =	vcombine.low v1, v3;
	v5 =	vand.u32 $0x7, v6  }
0x1b: {  	s16 =	simm.s32 $0x4;
	[dreg:$0x10] =	wrdreg s26;
	s26 =	simm.s32 $0x4180;
	v6 =	vor.u32 $0x8, v6;
	v3 =	vand.u32 $0xF, v7;
	v4 =	vand.u32 $0xF, v4  }
.LBB2_1:
0x1c: {  	s17 =	simm.s32 $0x140;
	s15 =	simm.s32 $0x0  }
.LBB2_2:
0x1d: {  	p0 =	sne.s32 s17, $0x9EC0;
	[tilespmem:s15+$0x41C0] =	vst v0;
	s18 =	smov.u32 s17;
	s17 =	sadd.s32 $0x140, s17  }
.Ltmp0:
0x1e: {  	[tilespmem:s15+$0x41B0] =	vst v0;
	(pc) =	sbr.rel @p0 .LBB2_2-.Ltmp0, $4  }
0x1f: {  	[tilespmem:s15+$0x41A0] =	vst v0  }
0x20: {  	[tilespmem:s15+$0x4180] =	vst v0  }
0x21: {  	[tilespmem:s15+$0x4190] =	vst v0  }
0x22: {  	s15 =	sshra.s32 s18, $0x2  }
0x23: {  	[tilespmem:s15+$0x41C0] =	vst v0  }
0x24: {  	[tilespmem:s15+$0x41B0] =	vst v0  }
0x25: {  	[tilespmem:s15+$0x41A0] =	vst v0  }
0x26: {  	[tilespmem:s15+$0x4180] =	vst v0  }
0x27: {  	[tilespmem:s15+$0x4190] =	vst v0  }
0x28: {  	[spmem:s10] =	stream.linear.scatter [tilespmem:s26], [sflag:$0x5], $0x2800, $0x38;
	[tilespmem:$0x19820] =	vst v63  }
0x29: {  	_ =	swait.ge [sflag:s28], $0x2800  }
0x2a: {  	[sflag:s28] =	ssyncset.done $0x0  }
0x2b: {  	s18 =	rddreg [dreg:$0x5];
	[sflag:s28] =	ssyncadd.s32 $0xFFFFD800  }
0x2c: {  	[spmem:s18] =	stream.linear.scatter [tilespmem:s26], [sflag:$0x5], $0x2800, $0x38;
	[tilespmem:$0x19820] =	vst v63  }
0x2d: {  	_ =	swait.ge [sflag:s28], $0x2800  }
0x2e: {  	[sflag:s28] =	ssyncset.done $0x0  }
0x2f: {  	s19 =	rddreg [dreg:$0x6];
	[sflag:s28] =	ssyncadd.s32 $0xFFFFD800  }
0x30: {  	[spmem:s19] =	stream.linear.scatter [tilespmem:s26], [sflag:$0x5], $0x2800, $0x38;
	[tilespmem:$0x19820] =	vst v63  }
0x31: {  	_ =	swait.ge [sflag:s28], $0x2800  }
0x32: {  	[sflag:s28] =	ssyncset.done $0x0  }
0x33: {  	s20 =	rddreg [dreg:$0x7];
	[sflag:s28] =	ssyncadd.s32 $0xFFFFD800  }
0x34: {  	[spmem:s20] =	stream.linear.scatter [tilespmem:s26], [sflag:$0x5], $0x2800, $0x38;
	[tilespmem:$0x19820] =	vst v63  }
0x35: {  	_ =	swait.ge [sflag:s28], $0x2800  }
0x36: {  	[sflag:s28] =	ssyncset.done $0x0  }
0x37: {  	s24 =	rddreg [dreg:$0x8];
	[sflag:s28] =	ssyncadd.s32 $0xFFFFD800  }
0x38: {  	[spmem:s24] =	stream.linear.scatter [tilespmem:s26], [sflag:$0x5], $0x23A0, $0x38;
	[tilespmem:$0x19820] =	vst v63  }
0x39: {  	_ =	swait.ge [sflag:s28], $0x23A0  }
0x3a: {  	s17 =	simm.s32 $0x0;
	[sflag:s28] =	ssyncset.done $0x0  }
0x3b: {  	s18 =	simm.s32 $0x6980;
	s25 =	rddreg [dreg:$0x4];
	[sflag:s28] =	ssyncadd.s32 $0xFFFFDC60  }
0x3c: {  	[tilespmem:s18], [sflag:$0x5] =	stream.linear.gather [hbm4b:s25+s17], $0x80, $0x38;
	[tilespmem:$0x19820] =	vst v63  }
0x3d: {  	_ =	swait.ge [sflag:s28], $0x80  }
0x3e: {  	[sflag:s28] =	ssyncset.done $0x0  }
0x3f: {  	[sflag:s28] =	ssyncadd.s32 $0xFFFFFF80  }
0x40: {  	[bflag:$0x0] =	sbarrier.arrive $0xFFFF  }
0x41: {  	s18 =	rddreg [dreg:$0x9]  }
0x42: {  	[tilespmem:s17], [sflag:$0x2] =	stream.linear.gather [hbm4b:s18+s17], $0x80, $0x38;
	[tilespmem:$0x19820] =	vst v63  }
0x43: {  	s19 =	rddreg [dreg:$0xa]  }
0x44: {  	[tilespmem:s30], [sflag:$0x2] =	stream.linear.gather [hbm4b:s19+s17], $0x80, $0x38;
	[tilespmem:$0x19820] =	vst v63  }
0x45: {  	s24 =	simm.s32 $0x19720;
	s20 =	rddreg [dreg:$0xb]  }
0x46: {  	[tilespmem:s24], [sflag:$0x2] =	stream.linear.gather [hbm4b:s20+s17], $0x80, $0x38;
	[tilespmem:$0x19820] =	vst v63  }
0x47: {  	_ =	swait.ge [sflag:s0], $0x80  }
0x48: {  	[sflag:s0] =	ssyncset.done $0x0  }
0x49: {  	[sflag:s0] =	ssyncadd.s32 $0xFFFFFF80  }
0x4a: {  	_ =	swait.ge [sflag:s0], $0x80  }
0x4b: {  	[sflag:s0] =	ssyncset.done $0x0  }
0x4c: {  	[sflag:s0] =	ssyncadd.s32 $0xFFFFFF80  }
0x4d: {  	_ =	swait.ge [sflag:s0], $0x80  }
0x4e: {  	[sflag:s0] =	ssyncset.done $0x0  }
0x4f: {  	s25 =	simm.s32 $0x180;
	[sflag:s0] =	ssyncadd.s32 $0xFFFFFF80  }
0x50: {  	[tilespmem:s25], [sflag:$0x1] =	stream.indirect.gather [hbm4b:s4+s30], $0x40, s17, s30, $0xb8;
	[tilespmem:$0x19820] =	vst v63  }
0x51: {  	s18 =	simm.s32 $0x2180  }
0x52: {  	[tilespmem:s18], [sflag:$0x1] =	stream.indirect.gather [hbm4b:s5+s30], $0x40, s30, s30, $0xb8;
	[tilespmem:$0x19820] =	vst v63  }
0x53: {  	s19 =	rddreg [dreg:$0xc]  }
0x54: {  	[tilespmem:s29], [sflag:$0x2] =	stream.linear.gather [hbm4b:s19+s17], $0x80, $0x38;
	[tilespmem:$0x19820] =	vst v63  }
0x55: {  	s20 =	rddreg [dreg:$0xd]  }
0x56: {  	[tilespmem:s31], [sflag:$0x2] =	stream.linear.gather [hbm4b:s20+s17], $0x80, $0x38;
	[tilespmem:$0x19820] =	vst v63  }
0x57: {  	s24 =	rddreg [dreg:$0xe];
	s25 =	simm.s32 $0x197A0  }
0x58: {  	[tilespmem:s25], [sflag:$0x2] =	stream.linear.gather [hbm4b:s24+s17], $0x80, $0x38;
	[tilespmem:$0x19820] =	vst v63  }
.LBB2_4:
0x59: {  	_ =	swait.ge [sflag:s0], $0x80  }
0x5a: {  	[sflag:s0] =	ssyncset.done $0x0  }
0x5b: {  	[sflag:s0] =	ssyncadd.s32 $0xFFFFFF80  }
0x5c: {  	_ =	swait.ge [sflag:s0], $0x80  }
0x5d: {  	[sflag:s0] =	ssyncset.done $0x0  }
0x5e: {  	[sflag:s0] =	ssyncadd.s32 $0xFFFFFF80  }
0x5f: {  	_ =	swait.ge [sflag:s0], $0x80  }
0x60: {  	[sflag:s0] =	ssyncset.done $0x0  }
0x61: {  	p0 =	seq.s32 s17, $0x0;
	[sflag:s0] =	ssyncadd.s32 $0xFFFFFF80  }
0x62: {  	[tilespmem:s1], [sflag:$0x1] =	stream.indirect.gather [hbm4b:s4+s30], $0x40, s29, s30, $0xb8;
	[tilespmem:$0x19820] =	vst v63  }
0x63: {  	s15 =	simm.s32 @!p0 $0x3  }
0x64: {  	[tilespmem:s9], [sflag:$0x1] =	stream.indirect.gather [hbm4b:s5+s30], $0x40, s31, s30, $0xb8;
	[tilespmem:$0x19820] =	vst v63  }
0x65: {  	_ =	swait.ge @!p0 [sflag:s15], $0x2800  }
0x66: {  	[sflag:s15] =	ssyncset.done @!p0 $0x0  }
0x67: {  	[sflag:s15] =	ssyncadd.s32 @!p0 $0xFFFFD800  }
0x68: {  	_ =	swait.ge [sflag:s11], $0x2000  }
0x69: {  	[sflag:s11] =	ssyncset.done $0x0  }
0x6a: {  	[sflag:s11] =	ssyncadd.s32 $0xFFFFE000  }
0x6b: {  	_ =	swait.ge [sflag:s11], $0x2000  }
0x6c: {  	[sflag:s11] =	ssyncset.done $0x0  }
0x6d: {  	[sflag:s11] =	ssyncadd.s32 $0xFFFFE000  }
0x6e: {  	v7 =	vld [tilespmem:$0x19720]  }
0x6f: {  	v8 =	vld [tilespmem:$0x19730]  }
0x70: {  	v9 =	vld [tilespmem:$0x19740]  }
0x71: {  	v10 =	vld [tilespmem:$0x19750]  }
0x72: {  	v11 =	vld [tilespmem:$0x19760]  }
0x73: {  	[tilespmem:$0x100] =	vst v7;
	v7 =	vld [tilespmem:$0x19770]  }
0x74: {  	[tilespmem:$0x110] =	vst v8;
	v8 =	vld [tilespmem:$0x19780]  }
0x75: {  	[tilespmem:$0x120] =	vst v9;
	v9 =	vld [tilespmem:$0x19790]  }
0x76: {  	[tilespmem:$0x130] =	vst v10  }
0x77: {  	s18 =	sshll.u32 s17, $0x8;
	p0 =	seq.s32 s17, $0x50;
	[tilespmem:$0x140] =	vst v11  }
0x78: {  	s15 =	sadd.s32 @!p0 s18, s21;
	[tilespmem:$0x150] =	vst v7  }
0x79: {  	s15 =	sshrl.u32 @!p0 s15, $0x3;
	[tilespmem:$0x160] =	vst v8  }
0x7a: {  	s20 =	simm.s32 @!p0 $0x0;
	s19 =	sadd.s32 @!p0 s6, s15;
	[tilespmem:$0x170] =	vst v9  }
0x7b: {  	[tilespmem:s20], [sflag:$0x2] =	stream.linear.gather @!p0 [hbm4b:s19+s20], $0x80, $0x38;
	[tilespmem:$0x19820] =	vst v63  }
0x7c: {  	s24 =	simm.s32 @!p0 $0x80;
	s19 =	sadd.s32 @!p0 s7, s15  }
0x7d: {  	[tilespmem:s24], [sflag:$0x2] =	stream.linear.gather @!p0 [hbm4b:s19+s20], $0x80, $0x38;
	[tilespmem:$0x19820] =	vst v63  }
0x7e: {  	s15 =	sadd.s32 @!p0 s8, s15;
	s19 =	simm.s32 @!p0 $0x19720  }
0x7f: {  	[tilespmem:s19], [sflag:$0x2] =	stream.linear.gather @!p0 [hbm4b:s15+s20], $0x80, $0x38;
	[tilespmem:$0x19820] =	vst v63  }
0x80: {  	s20 =	simm.s32 $0x200  }
0x81: {  	v23 =	vld [tilespmem:s20+$0x50]  }
0x82: {  	s24 =	simm.s32 $0x2200;
	v25 =	vld [tilespmem:s20+$0x70]  }
0x83: {  	v7 =	vld [tilespmem:s24+$0x50]  }
0x84: {  	v24 =	vld [tilespmem:s20+$0x40]  }
0x85: {  	v20 =	vld [tilespmem:s20+$0x60]  }
0x86: {  	v8 =	vld [tilespmem:s24+$0x40]  }
0x87: {  	v9 =	vld [tilespmem:s24+$0x60]  }
0x88: {  	v10 =	vld [tilespmem:s24+$0x70]  }
0x89: {  	v27 =	vld [tilespmem:s20+$0xFFFFFFA0]  }
0x8a: {  	v12 =	vld [tilespmem:s24+$0xFFFFFF80]  }
0x8b: {  	v11 =	vld [tilespmem:s24+$0xFFFFFFA0]  }
0x8c: {  	v33 =	vld [tilespmem:s20+$0xFFFFFF80]  }
0x8d: {  	v34 =	vld [tilespmem:s20+$0xFFFFFF90]  }
0x8e: {  	v35 =	vld [tilespmem:s24+$0xFFFFFF90];
	_ =	sdelay $0x1  }
0x8f: {  	v13 =	vadd.f32 v7, v23;
	v8 =	vadd.f32 v8, v24  }
0x90: {  	v18 =	vld [tilespmem:s22+$0x6980];
	v9 =	vadd.f32 v9, v20;
	v10 =	vadd.f32 v10, v25  }
0x91: {  	v19 =	vld [tilespmem:s22+$0x69A0];
	v11 =	vadd.f32 v11, v27;
	v12 =	vadd.f32 v12, v33  }
0x92: {  	v16 =	vld [tilespmem:s22+$0x6990];
	v35 =	vadd.f32 v35, v34;
	v14 =	vmax.f32 v13, $0.0e+00;
	v15 =	vmax.f32 v8, $0.0e+00  }
0x93: {  	v29 =	vld [tilespmem:s24+$0x0];
	v8 =	vmin.f32 v8, $0.0e+00;
	v17 =	vmin.f32 v9, $0.0e+00;
	v9 =	vmax.f32 v9, $0.0e+00  }
0x94: {  	v30 =	vld [tilespmem:s24+$0x20];
	v26 =	vmin.f32 v10, $0.0e+00;
	v10 =	vmax.f32 v10, $0.0e+00;
	v28 =	vmin.f32 v11, $0.0e+00  }
0x95: {  	v7 =	vld [tilespmem:s20+$0xFFFFFFC0];
	v39 =	vmin.f32 v12, $0.0e+00;
	v42 =	vmax.f32 v12, $0.0e+00;
	v21 =	vmul.f32 $2.000000030e-01, v8  }
0x96: {  	v43 =	vmin.f32 v35, $0.0e+00;
	v8 =	vmin.f32 v13, $0.0e+00;
	v13 =	vmul.f32 $2.000000030e-01, v17;
	v17 =	vld [tilespmem:s22+$0x69B0]  }
0x97: {  	v39 =	vmul.f32 $2.000000030e-01, v39;
	v22 =	vmul.f32 $2.000000030e-01, v8;
	v8 =	vld [tilespmem:s20+$0xFFFFFFE0];
	v15 =	vadd.f32 v21, v15  }
0x98: {  	v35 =	vmax.f32 v35, $0.0e+00;
	v9 =	vadd.f32 v13, v9;
	v13 =	vmul.f32 $2.000000030e-01, v26;
	v21 =	vld [tilespmem:s24+$0xFFFFFFC0]  }
0x99: {  	v39 =	vadd.f32 v39, v42;
	v14 =	vadd.f32 v22, v14;
	v22 =	vld [tilespmem:s24+$0xFFFFFFE0];
	v15 =	vmul.f32 v15, v18  }
0x9a: {  	v43 =	vmul.f32 $2.000000030e-01, v43;
	v26 =	vmul.f32 v9, v19;
	v13 =	vadd.f32 v13, v10;
	v10 =	vld [tilespmem:s20+$0x0]  }
0x9b: {  	v9 =	vld [tilespmem:s20+$0x20];
	v39 =	vmul.f32 v39, v18;
	v14 =	vmul.f32 v14, v16;
	v15 =	vadd.f32 $0.0e+00, v15  }
0x9c: {  	v35 =	vadd.f32 v43, v35;
	v26 =	vadd.f32 $0.0e+00, v26;
	v13 =	vmul.f32 v13, v17  }
0x9d: {  	v28 =	vmul.f32 $2.000000030e-01, v28;
	v49 =	vadd.f32 $0.0e+00, v39;
	v14 =	vadd.f32 v14, v15  }
0x9e: {  	v11 =	vmax.f32 v11, $0.0e+00;
	v13 =	vadd.f32 v13, v26;
	v15 =	vadd.f32 v21, v7  }
0x9f: {  	v21 =	vadd.f32 v22, v8;
	v22 =	vadd.f32 v28, v11  }
0xa0: {  	v35 =	vmul.f32 v35, v16;
	v29 =	vadd.f32 v29, v10;
	v30 =	vadd.f32 v30, v9  }
0xa1: {  	v57 =	vld [tilespmem:s24+$0x10];
	v26 =	vperm.xlane v14, v1;
	v28 =	vperm.xlane v13, v1;
	v31 =	vmax.f32 v15, $0.0e+00  }
0xa2: {  	v12 =	vld [tilespmem:s20+$0x10];
	v15 =	vmin.f32 v15, $0.0e+00;
	v32 =	vmin.f32 v21, $0.0e+00;
	v21 =	vmax.f32 v21, $0.0e+00  }
0xa3: {  	v22 =	vmul.f32 v22, v19;
	v36 =	vmul.f32 $2.000000030e-01, v15;
	v55 =	vmin.f32 v29, $0.0e+00  }
0xa4: {  	v40 =	vld [tilespmem:s24+$0xFFFFFFD0];
	v37 =	vmin.f32 v30, $0.0e+00;
	v29 =	vmax.f32 v29, $0.0e+00;
	v14 =	vadd.f32 v14, v26  }
0xa5: {  	v15 =	vld [tilespmem:s20+$0xFFFFFFD0];
	v13 =	vadd.f32 v13, v28;
	v28 =	vmul.f32 $2.000000030e-01, v32;
	v32 =	vmul.f32 $2.000000030e-01, v55  }
0xa6: {  	v11 =	vld [tilespmem:s20+$0xFFFFFFB0];
	v37 =	vmul.f32 $2.000000030e-01, v37;
	v22 =	vadd.f32 $0.0e+00, v22;
	v31 =	vadd.f32 v36, v31  }
0xa7: {  	v30 =	vmax.f32 v30, $0.0e+00;
	v26 =	vld [tilespmem:s24+$0xFFFFFFB0];
	v36 =	vadd.f32 v57, v12;
	v21 =	vadd.f32 v28, v21  }
0xa8: {  	v41 =	vld [tilespmem:s24+$0xFFFFFFF0];
	v14 =	vsel vm0, v14, v13;
	v29 =	vadd.f32 v32, v29;
	v30 =	vadd.f32 v37, v30  }
0xa9: {  	v13 =	vld [tilespmem:s20+$0xFFFFFFF0];
	v38 =	vperm.xlane v14, v2;
	v63 =	vmin.f32 v36, $0.0e+00;
	v36 =	vmax.f32 v36, $0.0e+00  }
0xaa: {  	v31 =	vmul.f32 v31, v18;
	v40 =	vadd.f32 v40, v15;
	v21 =	vmul.f32 v21, v19  }
0xab: {  	v18 =	vmul.f32 v29, v18;
	v29 =	vadd.f32 v35, v49;
	v38 =	vadd.f32 v14, v38  }
0xac: {  	v19 =	vmul.f32 v30, v19;
	v26 =	vadd.f32 v26, v11;
	v31 =	vadd.f32 $0.0e+00, v31  }
0xad: {  	v45 =	vld [tilespmem:s24+$0x30];
	v58 =	vmin.f32 v40, $0.0e+00;
	v21 =	vadd.f32 $0.0e+00, v21;
	v18 =	vadd.f32 $0.0e+00, v18  }
0xae: {  	v14 =	vld [tilespmem:s20+$0x30];
	v40 =	vmax.f32 v40, $0.0e+00;
	v19 =	vadd.f32 $0.0e+00, v19;
	v28 =	vadd.f32 v41, v13  }
0xaf: {  	v44 =	vperm.xlane v38, v3;
	v56 =	vmin.f32 v26, $0.0e+00;
	v41 =	vmul.f32 $2.000000030e-01, v58  }
0xb0: {  	v26 =	vmax.f32 v26, $0.0e+00;
	v42 =	vmul.f32 $2.000000030e-01, v56;
	v60 =	vmin.f32 v28, $0.0e+00  }
0xb1: {  	v38 =	vadd.f32 v38, v44;
	v28 =	vmax.f32 v28, $0.0e+00;
	v61 =	vmul.f32 $2.000000030e-01, v60  }
0xb2: {  	v44 =	vmul.f32 $2.000000030e-01, v63;
	v40 =	vadd.f32 v41, v40;
	v26 =	vadd.f32 v42, v26  }
0xb3: {  	v62 =	vadd.f32 v45, v14;
	v59 =	vperm.xlane v38, v4;
	v28 =	vadd.f32 v61, v28  }
0xb4: {  	v36 =	vadd.f32 v44, v36;
	v50 =	vmul.f32 v40, v16;
	v26 =	vmul.f32 v26, v17  }
0xb5: {  	v45 =	vmin.f32 v62, $0.0e+00;
	v32 =	vadd.f32 v38, v59;
	v28 =	vmul.f32 v28, v17  }
0xb6: {  	v45 =	vmul.f32 $2.000000030e-01, v45;
	v16 =	vmul.f32 v36, v16;
	v22 =	vadd.f32 v26, v22  }
0xb7: {  	v26 =	vadd.f32 v50, v31;
	v32 =	vmul.f32 $1.442695020e+00, v32;
	v21 =	vadd.f32 v28, v21  }
0xb8: {  	v38 =	vmax.f32 v62, $0.0e+00;
	v28 =	vperm.xlane v29, v1;
	v30 =	vperm.xlane v22, v1  }
0xb9: {  	s19 =	simm.s32 $0x2300;
	v48 =	vadd.f32 v45, v38;
	v31 =	vperm.xlane v26, v1;
	v51 =	vperm.xlane v21, v1  }
0xba: {  	s25 =	simm.s32 $0x300;
	v52 =	vld [tilespmem:s19+$0x70];
	(erf) = vpow2.f32 v32;
	v28 =	vadd.f32 v28, v29;
	v22 =	vadd.f32 v22, v30  }
0xbb: {  	v37 =	vld [tilespmem:s25+$0x70];
	v17 =	vmul.f32 v48, v17;
	v26 =	vadd.f32 v26, v31;
	v21 =	vadd.f32 v21, v51  }
0xbc: {  	v18 =	vadd.f32 v16, v18;
	v22 =	vsel vm0, v28, v22  }
0xbd: {  	v17 =	vadd.f32 v17, v19;
	v19 =	vperm.xlane v22, v2;
	v21 =	vsel vm0, v26, v21  }
0xbe: {  	v26 =	vperm.xlane v21, v2  }
0xbf: {  	v16 =	vld [tilespmem:s25+$0x50];
	v28 =	vperm.xlane v18, v1;
	v29 =	vperm.xlane v17, v1;
	v19 =	vadd.f32 v22, v19  }
0xc0: {  	v32 =	vadd.f32 v52, v37;
	v22 =	vld [tilespmem:s19+$0x50];
	v21 =	vadd.f32 v21, v26  }
0xc1: {  	v26 =	vadd.f32 v18, v28;
	v28 =	vadd.f32 v17, v29;
	v29 =	vperm.xlane v19, v3;
	v18 =	vld [tilespmem:s25+$0x40]  }
0xc2: {  	v57 =	vmin.f32 v32, $0.0e+00;
	v17 =	vld [tilespmem:s25+$0x60];
	v30 =	vperm.xlane v21, v3  }
0xc3: {  	v58 =	vmul.f32 $2.000000030e-01, v57;
	v38 =	vpop (erf);
	v26 =	vsel vm0, v26, v28;
	v19 =	vadd.f32 v19, v29;
	v28 =	vld [tilespmem:s19+$0x40]  }
0xc4: {  	v60 =	vperm.xlane v38, v5;
	v29 =	vperm.xlane v26, v2;
	v21 =	vadd.f32 v21, v30;
	v30 =	vld [tilespmem:s19+$0x60]  }
0xc5: {  	v50 =	vld [tilespmem:s19+$0x0];
	v53 =	vperm.xlane v38, v6;
	v22 =	vadd.f32 v22, v16;
	v31 =	vperm.xlane v19, v4  }
0xc6: {  	v42 =	vmul.f32 v60, v24;
	v24 =	vld [tilespmem:s25+$0x0];
	v26 =	vadd.f32 v26, v29;
	v29 =	vperm.xlane v21, v4  }
0xc7: {  	v51 =	vld [tilespmem:s19+$0x20];
	v45 =	vmul.f32 v53, v25;
	v41 =	vmul.f32 v60, v23;
	v19 =	vadd.f32 v19, v31  }
0xc8: {  	v43 =	vmul.f32 v53, v20;
	v23 =	vld [tilespmem:s25+$0x20];
	v31 =	vperm.xlane v26, v3;
	v21 =	vadd.f32 v21, v29  }
0xc9: {  	v29 =	vmul.f32 $1.442695020e+00, v19;
	v19 =	vadd.f32 v28, v18;
	v28 =	vadd.f32 v30, v17  }
0xca: {  	v46 =	vld [tilespmem:s22+$0x6980];
	v30 =	vmax.f32 v22, $0.0e+00;
	v22 =	vmin.f32 v22, $0.0e+00;
	v26 =	vadd.f32 v26, v31  }
0xcb: {  	v39 =	vld [tilespmem:s22+$0x69B0];
	v50 =	vadd.f32 v50, v24;
	v54 =	vmax.f32 v19, $0.0e+00;
	v19 =	vmin.f32 v19, $0.0e+00  }
0xcc: {  	v44 =	vld [tilespmem:s22+$0x69A0];
	v21 =	vmul.f32 $1.442695020e+00, v21;
	v55 =	vmin.f32 v28, $0.0e+00;
	v19 =	vmul.f32 $2.000000030e-01, v19  }
0xcd: {  	v36 =	vld [tilespmem:s22+$0x6990];
	v51 =	vadd.f32 v51, v23;
	v22 =	vmul.f32 $2.000000030e-01, v22;
	v56 =	vmul.f32 $2.000000030e-01, v55  }
0xce: {  	v31 =	vld [tilespmem:s19+$0xFFFFFFA0];
	(erf) = vpow2.f32 v29;
	v28 =	vmax.f32 v28, $0.0e+00;
	v40 =	vadd.f32 v19, v54  }
0xcf: {  	v29 =	vmax.f32 v32, $0.0e+00;
	v61 =	vperm.xlane v26, v4;
	v19 =	vld [tilespmem:s25+$0xFFFFFFA0];
	v28 =	vadd.f32 v56, v28  }
0xd0: {  	v25 =	vld [tilespmem:s19+$0xFFFFFFC0];
	v29 =	vadd.f32 v58, v29;
	v22 =	vadd.f32 v22, v30;
	v30 =	vmul.f32 v40, v46  }
0xd1: {  	(erf) = vpow2.f32 v21;
	v21 =	vld [tilespmem:s25+$0xFFFFFFC0];
	v26 =	vadd.f32 v26, v61;
	v28 =	vmul.f32 v28, v44  }
0xd2: {  	v60 =	vmin.f32 v51, $0.0e+00;
	v59 =	vmul.f32 v22, v36;
	v30 =	vadd.f32 $0.0e+00, v30  }
0xd3: {  	v29 =	vmul.f32 v29, v39;
	v26 =	vmul.f32 $1.442695020e+00, v26;
	v28 =	vadd.f32 $0.0e+00, v28  }
0xd4: {  	v49 =	vld [tilespmem:s19+$0xFFFFFF80];
	v51 =	vmax.f32 v51, $0.0e+00;
	v31 =	vadd.f32 v31, v19;
	v30 =	vadd.f32 v59, v30  }
0xd5: {  	v60 =	vmul.f32 $2.000000030e-01, v60;
	v22 =	vld [tilespmem:s25+$0xFFFFFFE0];
	(erf) = vpow2.f32 v26;
	v28 =	vadd.f32 v29, v28  }
0xd6: {  	v25 =	vadd.f32 v25, v21;
	v29 =	vld [tilespmem:s19+$0xFFFFFFE0];
	v20 =	vmin.f32 v31, $0.0e+00;
	v32 =	vperm.xlane v30, v1  }
0xd7: {  	v47 =	vpop (erf);
	v26 =	vmax.f32 v31, $0.0e+00;
	v31 =	vmul.f32 $2.000000030e-01, v20;
	v20 =	vld [tilespmem:s25+$0xFFFFFF80];
	v62 =	vperm.xlane v28, v1  }
0xd8: {  	v51 =	vadd.f32 v60, v51;
	v54 =	vmax.f32 v25, $0.0e+00;
	v40 =	vperm.xlane v47, v5  }
0xd9: {  	v56 =	vld [tilespmem:s19+$0xFFFFFFB0];
	v25 =	vmin.f32 v25, $0.0e+00;
	v30 =	vadd.f32 v30, v32;
	v28 =	vadd.f32 v28, v62  }
0xda: {  	v35 =	vperm.xlane v47, v6;
	v48 =	vpop (erf);
	v33 =	vmul.f32 v40, v33;
	v53 =	vadd.f32 v31, v26;
	v31 =	vld [tilespmem:s25+$0xFFFFFFB0]  }
0xdb: {  	v32 =	vperm.xlane v48, v5;
	v29 =	vadd.f32 v29, v22;
	v28 =	vsel vm0, v30, v28  }
0xdc: {  	v55 =	vld [tilespmem:s19+$0xFFFFFF90];
	v53 =	vmul.f32 v53, v44;
	v49 =	vadd.f32 v49, v20;
	v52 =	vperm.xlane v28, v2  }
0xdd: {  	v30 =	vld [tilespmem:s25+$0xFFFFFF90];
	v26 =	vmin.f32 v29, $0.0e+00;
	v59 =	vmax.f32 v29, $0.0e+00;
	v29 =	vmin.f32 v50, $0.0e+00  }
0xde: {  	v50 =	vmax.f32 v50, $0.0e+00;
	v53 =	vadd.f32 $0.0e+00, v53;
	v57 =	vmul.f32 $2.000000030e-01, v26  }
0xdf: {  	v61 =	vmin.f32 v49, $0.0e+00;
	v62 =	vmul.f32 $2.000000030e-01, v29;
	v56 =	vadd.f32 v56, v31  }
0xe0: {  	v49 =	vmax.f32 v49, $0.0e+00;
	v28 =	vadd.f32 v28, v52;
	v52 =	vmul.f32 $2.000000030e-01, v25  }
0xe1: {  	v26 =	vld [tilespmem:s25+$0xFFFFFFF0];
	v29 =	vmul.f32 $2.000000030e-01, v61;
	v57 =	vadd.f32 v57, v59;
	v59 =	vmin.f32 v56, $0.0e+00  }
0xe2: {  	v61 =	vld [tilespmem:s19+$0xFFFFFFF0];
	v50 =	vadd.f32 v62, v50;
	v58 =	vperm.xlane v28, v3;
	v55 =	vadd.f32 v55, v30  }
0xe3: {  	v60 =	vld [tilespmem:s19+$0x30];
	v56 =	vmax.f32 v56, $0.0e+00;
	v49 =	vadd.f32 v29, v49;
	v52 =	vadd.f32 v52, v54  }
0xe4: {  	v62 =	vld [tilespmem:s19+$0x10];
	v59 =	vmul.f32 $2.000000030e-01, v59;
	v57 =	vmul.f32 v57, v44;
	v28 =	vadd.f32 v28, v58  }
0xe5: {  	v29 =	vld [tilespmem:s25+$0x10];
	v44 =	vmul.f32 v51, v44;
	v54 =	vmin.f32 v55, $0.0e+00;
	v55 =	vmax.f32 v55, $0.0e+00  }
0xe6: {  	v25 =	vld [tilespmem:s25+$0xFFFFFFD0];
	v56 =	vadd.f32 v59, v56;
	v49 =	vmul.f32 v49, v46;
	v63 =	vperm.xlane v28, v4  }
0xe7: {  	v58 =	vld [tilespmem:s19+$0xFFFFFFD0];
	v52 =	vmul.f32 v52, v46;
	v61 =	vadd.f32 v61, v26;
	v57 =	vadd.f32 $0.0e+00, v57  }
0xe8: {  	v54 =	vmul.f32 $2.000000030e-01, v54;
	v44 =	vadd.f32 $0.0e+00, v44;
	v63 =	vadd.f32 v28, v63;
	v28 =	vld [tilespmem:s25+$0x30]  }
0xe9: {  	v46 =	vmul.f32 v50, v46;
	v49 =	vadd.f32 $0.0e+00, v49;
	v52 =	vadd.f32 $0.0e+00, v52  }
0xea: {  	v54 =	vadd.f32 v54, v55;
	v55 =	vmin.f32 v61, $0.0e+00;
	v62 =	vadd.f32 v62, v29  }
0xeb: {  	v46 =	vadd.f32 $0.0e+00, v46;
	v61 =	vmax.f32 v61, $0.0e+00;
	v55 =	vmul.f32 $2.000000030e-01, v55  }
0xec: {  	v58 =	vadd.f32 v58, v25;
	v50 =	vmin.f32 v62, $0.0e+00;
	v63 =	vmul.f32 $1.442695020e+00, v63  }
0xed: {  	v62 =	vmax.f32 v62, $0.0e+00;
	v50 =	vmul.f32 $2.000000030e-01, v50;
	v60 =	vadd.f32 v60, v28  }
0xee: {  	v54 =	vmul.f32 v54, v36;
	(erf) = vpow2.f32 v63;
	v63 =	vmin.f32 v58, $0.0e+00  }
0xef: {  	v50 =	vadd.f32 v50, v62;
	v59 =	vmul.f32 $2.000000030e-01, v63;
	v51 =	vmin.f32 v60, $0.0e+00  }
0xf0: {  	v55 =	vadd.f32 v55, v61;
	v58 =	vmax.f32 v58, $0.0e+00;
	v51 =	vmul.f32 $2.000000030e-01, v51  }
0xf1: {  	v50 =	vmul.f32 v50, v36;
	v60 =	vmax.f32 v60, $0.0e+00;
	v58 =	vadd.f32 v59, v58  }
0xf2: {  	v56 =	vmul.f32 v56, v39;
	v49 =	vadd.f32 v54, v49;
	v51 =	vadd.f32 v51, v60  }
0xf3: {  	v55 =	vmul.f32 v55, v39;
	v46 =	vadd.f32 v50, v46;
	v58 =	vmul.f32 v58, v36  }
0xf4: {  	v53 =	vadd.f32 v56, v53;
	v63 =	vperm.xlane v49, v1;
	v39 =	vmul.f32 v51, v39  }
0xf5: {  	s24 =	simm.s32 $0x4220;
	v59 =	vpop (erf);
	v50 =	vperm.xlane v46, v1;
	v51 =	vadd.f32 v58, v52;
	v52 =	vadd.f32 v55, v57  }
0xf6: {  	[tilespmem:s24+$0x50] =	vst v42;
	v42 =	vperm.xlane v59, v5;
	v57 =	vperm.xlane v53, v1;
	v39 =	vadd.f32 v39, v44  }
0xf7: {  	[tilespmem:s24+$0x90] =	vst v38;
	v60 =	vperm.xlane v51, v1;
	v61 =	vperm.xlane v52, v1  }
0xf8: {  	[tilespmem:s24+$0x80] =	vst v45;
	v58 =	vadd.f32 v63, v49;
	v54 =	vpop (erf);
	v62 =	vadd.f32 v53, v57;
	v63 =	vperm.xlane v39, v1  }
0xf9: {  	[tilespmem:s24+$0x60] =	vst v41;
	v36 =	vperm.xlane v54, v6;
	v56 =	vadd.f32 v51, v60;
	v57 =	vadd.f32 v52, v61  }
0xfa: {  	[tilespmem:s24+$0x70] =	vst v43;
	v38 =	vsel vm0, v58, v62;
	v58 =	vadd.f32 v46, v50;
	v39 =	vadd.f32 v39, v63  }
0xfb: {  	[tilespmem:s24+$0xFFFFFFA0] =	vst v47;
	v41 =	vperm.xlane v59, v6;
	v60 =	vperm.xlane v38, v2;
	v61 =	vsel vm0, v56, v57  }
0xfc: {  	[tilespmem:s24+$0xFFFFFFF0] =	vst v48;
	v37 =	vmul.f32 v36, v37;
	v62 =	vperm.xlane v61, v2;
	v39 =	vsel vm0, v58, v39  }
0xfd: {  	s20 =	simm.s32 $0x4360;
	[tilespmem:s24+$0x40] =	vst v59;
	v44 =	vperm.xlane v48, v6;
	v45 =	vadd.f32 v38, v60;
	v63 =	vperm.xlane v39, v2  }
0xfe: {  	[tilespmem:s20+$0x80] =	vst v37;
	v37 =	vmul.f32 v40, v34;
	v40 =	vmul.f32 v35, v27;
	v43 =	vadd.f32 v61, v62  }
0xff: {  	s15 =	simm.s32 $0x400;
	s25 =	simm.s32 $0x4;
	[tilespmem:s20+$0x90] =	vst v54;
	v38 =	vperm.xlane v54, v5;
	v46 =	vperm.xlane v45, v3;
	v39 =	vadd.f32 v39, v63  }
.LBB2_5:
0x100: {  	v47 =	vld [tilespmem:s15+$0x50];
	v34 =	vperm.xlane v43, v3;
	[tilespmem:s24+$0xFFFFFF60] =	vst v33;
	v35 =	vmul.f32 v35, v11;
	v27 =	vmovc v30;
	v11 =	vmov v31  }
0x101: {  	s19 =	sadd.s32 $0x100, s19;
	v33 =	vld [tilespmem:s15+$0x70];
	v30 =	vadd.f32 v45, v46;
	v31 =	vperm.xlane v39, v3;
	[tilespmem:s24+$0xFFFFFF70] =	vst v37;
	v45 =	vmul.f32 v32, v7  }
0x102: {  	v15 =	vmul.f32 v32, v15;
	v32 =	vmul.f32 v44, v8;
	v37 =	vld [tilespmem:s19+$0x50];
	v34 =	vadd.f32 v43, v34;
	[tilespmem:s24+$0xFFFFFF80] =	vst v40  }
0x103: {  	v13 =	vmul.f32 v44, v13;
	v40 =	vld [tilespmem:s15+$0x40];
	v43 =	vperm.xlane v30, v4;
	v31 =	vadd.f32 v39, v31;
	[tilespmem:s24+$0xFFFFFF90] =	vst v35  }
0x104: {  	v44 =	vmul.f32 v42, v10;
	v7 =	vmovc v21;
	v8 =	vmov v22;
	v35 =	vld [tilespmem:s15+$0x60];
	v39 =	vperm.xlane v34, v4;
	[tilespmem:s24+$0xFFFFFFB0] =	vst v45  }
0x105: {  	v12 =	vmul.f32 v42, v12;
	v22 =	vld [tilespmem:s19+$0x40];
	v43 =	vadd.f32 v30, v43;
	v21 =	vperm.xlane v31, v4;
	[tilespmem:s24+$0xFFFFFFC0] =	vst v15  }
0x106: {  	s25 =	sadd.s32 $0x4, s25;
	v14 =	vmul.f32 v41, v14;
	v30 =	vld [tilespmem:s19+$0x60];
	v42 =	vadd.f32 v34, v39;
	[tilespmem:s24+$0xFFFFFFD0] =	vst v32;
	v32 =	vmul.f32 v41, v9  }
0x107: {  	p1 =	slt.u32 s25, $0x7C;
	v10 =	vmovc v24;
	v39 =	vld [tilespmem:s19+$0x70];
	v41 =	vmul.f32 $1.442695020e+00, v43;
	v21 =	vadd.f32 v31, v21;
	v31 =	vmul.f32 v38, v18;
	[tilespmem:s24+$0xFFFFFFE0] =	vst v13  }
0x108: {  	v9 =	vmovc v23;
	v38 =	vmul.f32 v38, v16;
	v16 =	vmovc v47;
	v34 =	vld [tilespmem:s15+$0xFFFFFFA0];
	v24 =	vmul.f32 $1.442695020e+00, v42;
	[tilespmem:s24+$0x0] =	vst v44;
	v18 =	vmov v40  }
0x109: {  	v15 =	vmovc v25;
	v13 =	vmovc v26;
	v44 =	vld [tilespmem:s19+$0xFFFFFF80];
	v23 =	vmul.f32 $1.442695020e+00, v21;
	(erf) = vpow2.f32 v41;
	[tilespmem:s24+$0x10] =	vst v12;
	v12 =	vmov v29  }
0x10a: {  	v26 =	vadd.f32 v37, v16;
	v29 =	vmul.f32 v36, v17;
	v17 =	vmovc v35;
	v25 =	vld [tilespmem:s19+$0xFFFFFFA0];
	(erf) = vpow2.f32 v24;
	[tilespmem:s24+$0x20] =	vst v32  }
0x10b: {  	v22 =	vadd.f32 v22, v18;
	v21 =	vld [tilespmem:s15+$0xFFFFFFC0];
	v24 =	vadd.f32 v30, v17;
	(erf) = vpow2.f32 v23;
	[tilespmem:s24+$0x30] =	vst v14;
	v14 =	vmovc v28;
	s24 =	smov.u32 s20  }
0x10c: {  	v23 =	vmax.f32 v26, $0.0e+00;
	v42 =	vld [tilespmem:s22+$0x6980];
	v28 =	vadd.f32 v39, v33;
	[tilespmem:s20+$0x50] =	vst v31  }
0x10d: {  	v30 =	vmax.f32 v22, $0.0e+00;
	v22 =	vmin.f32 v22, $0.0e+00;
	v43 =	vld [tilespmem:s22+$0x69A0];
	v31 =	vmin.f32 v24, $0.0e+00;
	[tilespmem:s20+$0x60] =	vst v38  }
0x10e: {  	v32 =	vmul.f32 $2.000000030e-01, v22;
	v22 =	vmin.f32 v26, $0.0e+00;
	v36 =	vld [tilespmem:s22+$0x6990];
	v26 =	vmul.f32 $2.000000030e-01, v31;
	[tilespmem:s20+$0x70] =	vst v29  }
0x10f: {  	v24 =	vmax.f32 v24, $0.0e+00;
	v29 =	vmul.f32 $2.000000030e-01, v22;
	v31 =	vmin.f32 v28, $0.0e+00;
	v41 =	vld [tilespmem:s22+$0x69B0]  }
0x110: {  	v30 =	vadd.f32 v32, v30;
	v22 =	vld [tilespmem:s15+$0xFFFFFFE0];
	v24 =	vadd.f32 v26, v24;
	v26 =	vmul.f32 $2.000000030e-01, v31  }
0x111: {  	v35 =	vmax.f32 v28, $0.0e+00;
	v25 =	vadd.f32 v25, v34;
	v23 =	vadd.f32 v29, v23;
	v31 =	vld [tilespmem:s19+$0xFFFFFFC0]  }
0x112: {  	v30 =	vmul.f32 v30, v42;
	v29 =	vld [tilespmem:s19+$0xFFFFFFE0];
	v32 =	vmul.f32 v24, v43;
	v26 =	vadd.f32 v26, v35;
	v28 =	vpop (erf)  }
0x113: {  	v45 =	vmax.f32 v25, $0.0e+00;
	v25 =	vmin.f32 v25, $0.0e+00;
	v24 =	vld [tilespmem:s15+$0x0];
	v35 =	vmul.f32 v23, v36;
	[tilespmem:s20+$0xFFFFFFA0] =	vst v28;
	v40 =	vpop (erf)  }
0x114: {  	v30 =	vadd.f32 $0.0e+00, v30;
	v23 =	vld [tilespmem:s15+$0x20];
	v32 =	vadd.f32 $0.0e+00, v32;
	v26 =	vmul.f32 v26, v41;
	[tilespmem:s20+$0xFFFFFFF0] =	vst v40;
	v38 =	vpop (erf)  }
0x115: {  	v25 =	vmul.f32 $2.000000030e-01, v25;
	v37 =	vperm.xlane v28, v5;
	v46 =	vld [tilespmem:s19+$0x0];
	[tilespmem:s20+$0x40] =	vst v38  }
0x116: {  	v48 =	vadd.f32 v35, v30;
	v35 =	vperm.xlane v28, v6;
	v47 =	vld [tilespmem:s19+$0x20];
	v26 =	vadd.f32 v26, v32  }
0x117: {  	v28 =	vadd.f32 v31, v21;
	v32 =	vperm.xlane v40, v5;
	v39 =	vld [tilespmem:s15+$0xFFFFFF80];
	v29 =	vadd.f32 v29, v22  }
0x118: {  	v45 =	vadd.f32 v25, v45;
	v25 =	vperm.xlane v48, v1;
	v30 =	vld [tilespmem:s15+$0xFFFFFF90];
	v49 =	vperm.xlane v26, v1  }
0x119: {  	v50 =	vmax.f32 v28, $0.0e+00;
	v28 =	vmin.f32 v28, $0.0e+00;
	v31 =	vld [tilespmem:s15+$0xFFFFFFB0];
	v51 =	vmin.f32 v29, $0.0e+00  }
0x11a: {  	v53 =	vmul.f32 $2.000000030e-01, v28;
	v28 =	vadd.f32 v48, v25;
	v52 =	vld [tilespmem:s19+$0xFFFFFF90];
	v26 =	vadd.f32 v26, v49  }
0x11b: {  	v49 =	vmul.f32 $2.000000030e-01, v51;
	v46 =	vadd.f32 v46, v24;
	v48 =	vld [tilespmem:s19+$0xFFFFFFB0];
	v47 =	vadd.f32 v47, v23  }
0x11c: {  	v51 =	vmax.f32 v29, $0.0e+00;
	v44 =	vadd.f32 v44, v39;
	v25 =	vld [tilespmem:s15+$0xFFFFFFD0];
	v28 =	vsel vm0, v28, v26  }
0x11d: {  	v29 =	vmin.f32 v46, $0.0e+00;
	v26 =	vld [tilespmem:s15+$0xFFFFFFF0];
	v54 =	vmin.f32 v47, $0.0e+00;
	v55 =	vperm.xlane v28, v2  }
0x11e: {  	v58 =	vmul.f32 $2.000000030e-01, v29;
	v56 =	vmin.f32 v44, $0.0e+00;
	v57 =	vld [tilespmem:s19+$0xFFFFFFD0];
	v54 =	vmul.f32 $2.000000030e-01, v54  }
0x11f: {  	v56 =	vmul.f32 $2.000000030e-01, v56;
	v52 =	vadd.f32 v52, v30;
	v59 =	vld [tilespmem:s19+$0xFFFFFFF0];
	v55 =	vadd.f32 v28, v55  }
0x120: {  	v46 =	vmax.f32 v46, $0.0e+00;
	v44 =	vmax.f32 v44, $0.0e+00;
	v48 =	vadd.f32 v48, v31;
	v29 =	vld [tilespmem:s15+$0x10]  }
0x121: {  	v47 =	vmax.f32 v47, $0.0e+00;
	v60 =	vmin.f32 v52, $0.0e+00;
	v28 =	vld [tilespmem:s15+$0x30];
	v61 =	vperm.xlane v55, v3  }
0x122: {  	v50 =	vadd.f32 v53, v50;
	v44 =	vadd.f32 v56, v44;
	v56 =	vmin.f32 v48, $0.0e+00;
	v53 =	vld [tilespmem:s19+$0x10]  }
0x123: {  	v60 =	vmul.f32 $2.000000030e-01, v60;
	v57 =	vadd.f32 v57, v25;
	v62 =	vld [tilespmem:s19+$0x30];
	v55 =	vadd.f32 v55, v61  }
0x124: {  	v49 =	vadd.f32 v49, v51;
	v56 =	vmul.f32 $2.000000030e-01, v56;
	v51 =	vadd.f32 v59, v26  }
0x125: {  	v46 =	vadd.f32 v58, v46;
	v59 =	vmin.f32 v57, $0.0e+00;
	v58 =	vperm.xlane v55, v4  }
0x126: {  	v47 =	vadd.f32 v54, v47;
	v59 =	vmul.f32 $2.000000030e-01, v59;
	v61 =	vmin.f32 v51, $0.0e+00  }
0x127: {  	v54 =	vmul.f32 $2.000000030e-01, v61;
	v53 =	vadd.f32 v53, v29;
	v55 =	vadd.f32 v55, v58  }
0x128: {  	v52 =	vmax.f32 v52, $0.0e+00;
	v48 =	vmax.f32 v48, $0.0e+00;
	v58 =	vadd.f32 v62, v28  }
0x129: {  	v57 =	vmax.f32 v57, $0.0e+00;
	v61 =	vmin.f32 v53, $0.0e+00;
	v55 =	vmul.f32 $1.442695020e+00, v55  }
0x12a: {  	v51 =	vmax.f32 v51, $0.0e+00;
	v61 =	vmul.f32 $2.000000030e-01, v61;
	v62 =	vmin.f32 v58, $0.0e+00  }
0x12b: {  	v53 =	vmax.f32 v53, $0.0e+00;
	v62 =	vmul.f32 $2.000000030e-01, v62;
	(erf) = vpow2.f32 v55  }
0x12c: {  	v45 =	vmul.f32 v45, v43;
	v44 =	vmul.f32 v44, v42;
	v55 =	vmax.f32 v58, $0.0e+00  }
0x12d: {  	v50 =	vmul.f32 v50, v42;
	v49 =	vmul.f32 v49, v43;
	v52 =	vadd.f32 v60, v52  }
0x12e: {  	v43 =	vmul.f32 v47, v43;
	v42 =	vmul.f32 v46, v42;
	v48 =	vadd.f32 v56, v48  }
0x12f: {  	v46 =	vmul.f32 v52, v36;
	v47 =	vadd.f32 v59, v57;
	v51 =	vadd.f32 v54, v51  }
0x130: {  	v48 =	vmul.f32 v48, v41;
	v52 =	vadd.f32 v61, v53;
	v53 =	vadd.f32 v62, v55  }
0x131: {  	v45 =	vadd.f32 $0.0e+00, v45;
	v44 =	vadd.f32 $0.0e+00, v44;
	v47 =	vmul.f32 v47, v36  }
0x132: {  	v50 =	vadd.f32 $0.0e+00, v50;
	v49 =	vadd.f32 $0.0e+00, v49;
	v51 =	vmul.f32 v51, v41  }
0x133: {  	v43 =	vadd.f32 $0.0e+00, v43;
	v42 =	vadd.f32 $0.0e+00, v42;
	v52 =	vmul.f32 v52, v36  }
0x134: {  	v44 =	vadd.f32 v46, v44;
	v45 =	vadd.f32 v48, v45;
	v41 =	vmul.f32 v53, v41;
	v46 =	vpop (erf)  }
0x135: {  	v47 =	vadd.f32 v47, v50;
	v48 =	vadd.f32 v51, v49;
	v36 =	vperm.xlane v46, v6  }
0x136: {  	v49 =	vperm.xlane v44, v1;
	v42 =	vadd.f32 v52, v42;
	v41 =	vadd.f32 v41, v43  }
0x137: {  	v43 =	vperm.xlane v45, v1;
	v33 =	vmul.f32 v36, v33  }
0x138: {  	s20 =	sadd.s32 $0x140, s20;
	v49 =	vadd.f32 v49, v44;
	v44 =	vperm.xlane v47, v1;
	v50 =	vperm.xlane v48, v1  }
0x139: {  	v43 =	vadd.f32 v45, v43;
	v45 =	vperm.xlane v42, v1;
	v51 =	vperm.xlane v41, v1;
	[tilespmem:s20+$0x80] =	vst v33  }
0x13a: {  	v33 =	vadd.f32 v47, v44;
	v47 =	vadd.f32 v48, v50;
	v44 =	vperm.xlane v40, v6;
	[tilespmem:s20+$0x90] =	vst v46  }
0x13b: {  	v41 =	vadd.f32 v41, v51;
	v40 =	vsel vm0, v49, v43;
	v43 =	vadd.f32 v42, v45  }
.Ltmp1:
0x13c: {  	v42 =	vperm.xlane v38, v5;
	v45 =	vperm.xlane v40, v2;
	v33 =	vsel vm0, v33, v47;
	(pc) =	sbr.rel @p1 .LBB2_5-.Ltmp1, $4  }
0x13d: {  	v48 =	vsel vm0, v43, v41;
	v41 =	vperm.xlane v38, v6;
	v47 =	vperm.xlane v33, v2  }
0x13e: {  	v38 =	vperm.xlane v46, v5;
	v45 =	vadd.f32 v40, v45;
	v40 =	vperm.xlane v48, v2  }
0x13f: {  	v43 =	vadd.f32 v33, v47;
	v33 =	vmul.f32 v37, v20;
	v37 =	vmul.f32 v37, v27;
	v20 =	vmovc v39  }
0x140: {  	s15 =	sadd.s32 $0x100, s15;
	v46 =	vperm.xlane v45, v3;
	v39 =	vadd.f32 v48, v40;
	v40 =	vmul.f32 v35, v19;
	v19 =	vmovc v34  }
0x141: {  	_ = 	snop  }
0x142: {  	v27 =	vperm.xlane v43, v3;
	v34 =	vadd.f32 v45, v46  }
0x143: {  	v56 =	vperm.xlane v39, v3  }
0x144: {  	v27 =	vadd.f32 v43, v27;
	v57 =	vperm.xlane v34, v4  }
0x145: {  	v39 =	vadd.f32 v39, v56  }
0x146: {  	[tilespmem:s24+$0xFFFFFF60] =	vst v33;
	v58 =	vperm.xlane v27, v4;
	v34 =	vadd.f32 v34, v57  }
0x147: {  	v11 =	vmul.f32 v35, v11;
	[tilespmem:s24+$0xFFFFFF70] =	vst v37;
	v59 =	vperm.xlane v39, v4  }
0x148: {  	v7 =	vmul.f32 v32, v7;
	[tilespmem:s24+$0xFFFFFF80] =	vst v40;
	v27 =	vadd.f32 v27, v58;
	v60 =	vmul.f32 $1.442695020e+00, v34  }
0x149: {  	v15 =	vmul.f32 v32, v15;
	v8 =	vmul.f32 v44, v8;
	[tilespmem:s24+$0xFFFFFF90] =	vst v11;
	v11 =	vadd.f32 v39, v59  }
0x14a: {  	[tilespmem:s24+$0xFFFFFFB0] =	vst v7;
	v7 =	vmul.f32 $1.442695020e+00, v27;
	(erf) = vpow2.f32 v60  }
0x14b: {  	v13 =	vmul.f32 v44, v13;
	[tilespmem:s24+$0xFFFFFFC0] =	vst v15;
	v11 =	vmul.f32 $1.442695020e+00, v11  }
0x14c: {  	v10 =	vmul.f32 v42, v10;
	[tilespmem:s24+$0xFFFFFFD0] =	vst v8;
	(erf) = vpow2.f32 v7  }
0x14d: {  	[tilespmem:s24+$0xFFFFFFE0] =	vst v13;
	v7 =	vmul.f32 v42, v12;
	(erf) = vpow2.f32 v11  }
0x14e: {  	v8 =	vmul.f32 v41, v9;
	[tilespmem:s24+$0x0] =	vst v10  }
0x14f: {  	v9 =	vmul.f32 v41, v14;
	[tilespmem:s24+$0x10] =	vst v7;
	v7 =	vmul.f32 v38, v18  }
0x150: {  	[tilespmem:s24+$0x20] =	vst v8;
	v8 =	vmul.f32 v38, v16  }
0x151: {  	[tilespmem:s24+$0x30] =	vst v9;
	v9 =	vmul.f32 v36, v17  }
0x152: {  	[tilespmem:s20+$0x60] =	vst v8  }
0x153: {  	[tilespmem:s20+$0x50] =	vst v7;
	v7 =	vpop (erf)  }
0x154: {  	[tilespmem:s20+$0x70] =	vst v9;
	v8 =	vperm.xlane v7, v5  }
0x155: {  	[tilespmem:s20+$0xFFFFFFA0] =	vst v7;
	v9 =	vpop (erf)  }
0x156: {  	v7 =	vperm.xlane v7, v6;
	[tilespmem:s20+$0xFFFFFFF0] =	vst v9;
	v10 =	vpop (erf);
	v11 =	vmul.f32 v8, v20  }
0x157: {  	[tilespmem:s20+$0x40] =	vst v10;
	v8 =	vmul.f32 v8, v30  }
0x158: {  	v12 =	vperm.xlane v9, v5;
	v13 =	vmul.f32 v7, v19;
	[tilespmem:s20+$0xFFFFFF60] =	vst v11  }
0x159: {  	v7 =	vmul.f32 v7, v31;
	[tilespmem:s20+$0xFFFFFF70] =	vst v8  }
0x15a: {  	v8 =	vperm.xlane v9, v6;
	v9 =	vmul.f32 v12, v21;
	[tilespmem:s20+$0xFFFFFF80] =	vst v13  }
0x15b: {  	v11 =	vmul.f32 v12, v25;
	[tilespmem:s20+$0xFFFFFF90] =	vst v7  }
0x15c: {  	v7 =	vperm.xlane v10, v5;
	v12 =	vmul.f32 v8, v22;
	[tilespmem:s20+$0xFFFFFFB0] =	vst v9  }
0x15d: {  	v8 =	vmul.f32 v8, v26;
	[tilespmem:s20+$0xFFFFFFC0] =	vst v11  }
0x15e: {  	v9 =	vperm.xlane v10, v6;
	v10 =	vmul.f32 v7, v24;
	[tilespmem:s20+$0xFFFFFFD0] =	vst v12  }
0x15f: {  	v7 =	vmul.f32 v7, v29;
	[tilespmem:s20+$0xFFFFFFE0] =	vst v8  }
0x160: {  	v8 =	vmul.f32 v9, v23;
	[tilespmem:s20+$0x0] =	vst v10  }
0x161: {  	v9 =	vmul.f32 v9, v28;
	[tilespmem:s20+$0x10] =	vst v7  }
0x162: {  	[tilespmem:s20+$0x20] =	vst v8  }
0x163: {  	s15 =	simm.s32 @!p0 $0x2;
	[tilespmem:s20+$0x30] =	vst v9  }
0x164: {  	[spmem:s2] =	stream.indirect.scatter.add.f32 [tilespmem:s26], [sflag:$0x3], $0x50, s12, s30, $0xb8;
	[tilespmem:$0x19820] =	vst v63  }
0x165: {  	_ =	swait.ge @!p0 [sflag:s15], $0x80  }
0x166: {  	[sflag:s15] =	ssyncset.done @!p0 $0x0  }
0x167: {  	[sflag:s15] =	ssyncadd.s32 @!p0 $0xFFFFFF80  }
0x168: {  	_ =	swait.ge @!p0 [sflag:s15], $0x80  }
0x169: {  	[sflag:s15] =	ssyncset.done @!p0 $0x0  }
0x16a: {  	[sflag:s15] =	ssyncadd.s32 @!p0 $0xFFFFFF80  }
0x16b: {  	_ =	swait.ge @!p0 [sflag:s15], $0x80  }
0x16c: {  	s19 =	simm.s32 @!p0 $0x80;
	p1 =	seq.s32 @!p0 s17, $0x0;
	[sflag:s15] =	ssyncset.done @!p0 $0x0  }
0x16d: {  	s20 =	simm.s32 @!p0 $0x180;
	[sflag:s15] =	ssyncadd.s32 @!p0 $0xFFFFFF80;
	s15 =	simm.s32 @!p0 $0x0  }
0x16e: {  	[tilespmem:s20], [sflag:$0x1] =	stream.indirect.gather @!p0 [hbm4b:s4+s19], $0x40, s15, s19, $0xb8;
	[tilespmem:$0x19820] =	vst v63  }
0x16f: {  	p1 =	por p0, !p1;
	s20 =	simm.s32 @!p0 $0x2180  }
0x170: {  	[tilespmem:s20], [sflag:$0x1] =	stream.indirect.gather @!p0 [hbm4b:s5+s19], $0x40, s19, s19, $0xb8;
	[tilespmem:$0x19820] =	vst v63  }
0x171: {  	_ =	swait.ge @p1 [sflag:s16], $0x2800  }
0x172: {  	[sflag:s16] =	ssyncset.done @p1 $0x0  }
0x173: {  	[sflag:s16] =	ssyncadd.s32 @p1 $0xFFFFD800  }
0x174: {  	_ =	swait.ge [sflag:s11], $0x2000  }
0x175: {  	[sflag:s11] =	ssyncset.done $0x0  }
0x176: {  	[sflag:s11] =	ssyncadd.s32 $0xFFFFE000  }
0x177: {  	_ =	swait.ge [sflag:s11], $0x2000  }
0x178: {  	[sflag:s11] =	ssyncset.done $0x0  }
0x179: {  	[sflag:s11] =	ssyncadd.s32 $0xFFFFE000  }
0x17a: {  	v7 =	vld [tilespmem:$0x197A0]  }
0x17b: {  	v8 =	vld [tilespmem:$0x197B0]  }
0x17c: {  	v9 =	vld [tilespmem:$0x197C0]  }
0x17d: {  	v10 =	vld [tilespmem:$0x197D0]  }
0x17e: {  	v11 =	vld [tilespmem:$0x197E0]  }
0x17f: {  	[tilespmem:$0x196A0] =	vst v7;
	v7 =	vld [tilespmem:$0x197F0]  }
0x180: {  	[tilespmem:$0x196B0] =	vst v8;
	v8 =	vld [tilespmem:$0x19800]  }
0x181: {  	[tilespmem:$0x196C0] =	vst v9;
	v9 =	vld [tilespmem:$0x19810]  }
0x182: {  	[tilespmem:$0x196D0] =	vst v10  }
0x183: {  	[tilespmem:$0x196E0] =	vst v11  }
0x184: {  	s18 =	sadd.s32 @!p0 s18, s23;
	[tilespmem:$0x196F0] =	vst v7  }
0x185: {  	s18 =	sshrl.u32 @!p0 s18, $0x3;
	[tilespmem:$0x19700] =	vst v8  }
0x186: {  	s19 =	sadd.s32 @!p0 s6, s18;
	s20 =	simm.s32 @!p0 $0x12DA0;
	[tilespmem:$0x19710] =	vst v9  }
0x187: {  	[tilespmem:s20], [sflag:$0x2] =	stream.linear.gather @!p0 [hbm4b:s19+s15], $0x80, $0x38;
	[tilespmem:$0x19820] =	vst v63  }
0x188: {  	s19 =	sadd.s32 @!p0 s7, s18;
	s20 =	simm.s32 @!p0 $0x12E20  }
0x189: {  	[tilespmem:s20], [sflag:$0x2] =	stream.linear.gather @!p0 [hbm4b:s19+s15], $0x80, $0x38;
	[tilespmem:$0x19820] =	vst v63  }
0x18a: {  	s18 =	sadd.s32 @!p0 s8, s18;
	s19 =	simm.s32 @!p0 $0x197A0;
	s20 =	simm.s32 $0x12F20  }
0x18b: {  	[tilespmem:s19], [sflag:$0x2] =	stream.linear.gather @!p0 [hbm4b:s18+s15], $0x80, $0x38;
	[tilespmem:$0x19820] =	vst v63  }
0x18c: {  	v23 =	vld [tilespmem:s20+$0x50]  }
0x18d: {  	s24 =	simm.s32 $0x14F20;
	v25 =	vld [tilespmem:s20+$0x70]  }
0x18e: {  	v7 =	vld [tilespmem:s24+$0x50]  }
0x18f: {  	v24 =	vld [tilespmem:s20+$0x40]  }
0x190: {  	v20 =	vld [tilespmem:s20+$0x60]  }
0x191: {  	v8 =	vld [tilespmem:s24+$0x40]  }
0x192: {  	v9 =	vld [tilespmem:s24+$0x60]  }
0x193: {  	v10 =	vld [tilespmem:s24+$0x70]  }
0x194: {  	v27 =	vld [tilespmem:s20+$0xFFFFFFA0]  }
0x195: {  	v12 =	vld [tilespmem:s24+$0xFFFFFF80]  }
0x196: {  	v11 =	vld [tilespmem:s24+$0xFFFFFFA0]  }
0x197: {  	v33 =	vld [tilespmem:s20+$0xFFFFFF80]  }
0x198: {  	v34 =	vld [tilespmem:s20+$0xFFFFFF90]  }
0x199: {  	v62 =	vld [tilespmem:s24+$0xFFFFFF90];
	_ =	sdelay $0x1  }
0x19a: {  	v18 =	vld [tilespmem:s22+$0x6980];
	v13 =	vadd.f32 v7, v23  }
0x19b: {  	v19 =	vld [tilespmem:s22+$0x69A0];
	v8 =	vadd.f32 v8, v24;
	v9 =	vadd.f32 v9, v20  }
0x19c: {  	v16 =	vld [tilespmem:s22+$0x6990];
	v10 =	vadd.f32 v10, v25;
	v11 =	vadd.f32 v11, v27  }
0x19d: {  	v29 =	vld [tilespmem:s24+$0x0];
	v12 =	vadd.f32 v12, v33;
	v35 =	vadd.f32 v62, v34;
	v14 =	vmax.f32 v13, $0.0e+00  }
0x19e: {  	v30 =	vld [tilespmem:s24+$0x20];
	v15 =	vmax.f32 v8, $0.0e+00;
	v8 =	vmin.f32 v8, $0.0e+00;
	v17 =	vmin.f32 v9, $0.0e+00  }
0x19f: {  	v56 =	vld [tilespmem:s24+$0x10];
	v9 =	vmax.f32 v9, $0.0e+00;
	v26 =	vmin.f32 v10, $0.0e+00;
	v10 =	vmax.f32 v10, $0.0e+00  }
0x1a0: {  	v7 =	vld [tilespmem:s20+$0xFFFFFFC0];
	v49 =	vmin.f32 v12, $0.0e+00;
	v52 =	vmax.f32 v12, $0.0e+00;
	v53 =	vmin.f32 v35, $0.0e+00  }
0x1a1: {  	v12 =	vld [tilespmem:s20+$0x10];
	v21 =	vmul.f32 $2.000000030e-01, v8;
	v8 =	vmin.f32 v13, $0.0e+00;
	v13 =	vmul.f32 $2.000000030e-01, v17  }
0x1a2: {  	v35 =	vmax.f32 v35, $0.0e+00;
	v17 =	vld [tilespmem:s22+$0x69B0];
	v39 =	vmul.f32 $2.000000030e-01, v49;
	v22 =	vmul.f32 $2.000000030e-01, v8  }
0x1a3: {  	v8 =	vld [tilespmem:s20+$0xFFFFFFE0];
	v15 =	vadd.f32 v21, v15;
	v9 =	vadd.f32 v13, v9;
	v13 =	vmul.f32 $2.000000030e-01, v26  }
0x1a4: {  	v43 =	vmul.f32 $2.000000030e-01, v53;
	v21 =	vld [tilespmem:s24+$0xFFFFFFC0];
	v39 =	vadd.f32 v39, v52;
	v14 =	vadd.f32 v22, v14  }
0x1a5: {  	v22 =	vld [tilespmem:s24+$0xFFFFFFE0];
	v15 =	vmul.f32 v15, v18;
	v26 =	vmul.f32 v9, v19;
	v13 =	vadd.f32 v13, v10  }
0x1a6: {  	v35 =	vadd.f32 v43, v35;
	v10 =	vld [tilespmem:s20+$0x0];
	v39 =	vmul.f32 v39, v18;
	v14 =	vmul.f32 v14, v16  }
0x1a7: {  	v9 =	vld [tilespmem:s20+$0x20];
	v15 =	vadd.f32 $0.0e+00, v15;
	v26 =	vadd.f32 $0.0e+00, v26;
	v13 =	vmul.f32 v13, v17  }
0x1a8: {  	v28 =	vmin.f32 v11, $0.0e+00;
	v36 =	vadd.f32 v56, v12;
	v49 =	vadd.f32 $0.0e+00, v39  }
0x1a9: {  	v28 =	vmul.f32 $2.000000030e-01, v28;
	v14 =	vadd.f32 v14, v15;
	v13 =	vadd.f32 v13, v26  }
0x1aa: {  	v11 =	vmax.f32 v11, $0.0e+00;
	v15 =	vadd.f32 v21, v7;
	v21 =	vadd.f32 v22, v8  }
0x1ab: {  	v35 =	vmul.f32 v35, v16;
	v22 =	vadd.f32 v28, v11;
	v29 =	vadd.f32 v29, v10  }
0x1ac: {  	v30 =	vadd.f32 v30, v9;
	v26 =	vperm.xlane v14, v1;
	v28 =	vperm.xlane v13, v1  }
0x1ad: {  	v31 =	vmax.f32 v15, $0.0e+00;
	v15 =	vmin.f32 v15, $0.0e+00;
	v61 =	vmin.f32 v21, $0.0e+00  }
0x1ae: {  	v21 =	vmax.f32 v21, $0.0e+00;
	v22 =	vmul.f32 v22, v19;
	v63 =	vmul.f32 $2.000000030e-01, v15  }
0x1af: {  	v50 =	vld [tilespmem:s24+$0xFFFFFFD0];
	v46 =	vmin.f32 v29, $0.0e+00;
	v47 =	vmin.f32 v30, $0.0e+00;
	v29 =	vmax.f32 v29, $0.0e+00  }
0x1b0: {  	v15 =	vld [tilespmem:s20+$0xFFFFFFD0];
	v30 =	vmax.f32 v30, $0.0e+00;
	v13 =	vadd.f32 v13, v28;
	v28 =	vmul.f32 $2.000000030e-01, v61  }
0x1b1: {  	v51 =	vld [tilespmem:s24+$0xFFFFFFF0];
	v14 =	vadd.f32 v14, v26;
	v32 =	vmul.f32 $2.000000030e-01, v46;
	v37 =	vmul.f32 $2.000000030e-01, v47  }
0x1b2: {  	v11 =	vld [tilespmem:s20+$0xFFFFFFB0];
	v22 =	vadd.f32 $0.0e+00, v22;
	v31 =	vadd.f32 v63, v31;
	v63 =	vmin.f32 v36, $0.0e+00  }
0x1b3: {  	v26 =	vld [tilespmem:s24+$0xFFFFFFB0];
	v36 =	vmax.f32 v36, $0.0e+00;
	v14 =	vsel vm0, v14, v13;
	v21 =	vadd.f32 v28, v21  }
0x1b4: {  	v13 =	vld [tilespmem:s20+$0xFFFFFFF0];
	v29 =	vadd.f32 v32, v29;
	v30 =	vadd.f32 v37, v30;
	v44 =	vmul.f32 $2.000000030e-01, v63  }
0x1b5: {  	v48 =	vperm.xlane v14, v2;
	v31 =	vmul.f32 v31, v18;
	v40 =	vadd.f32 v50, v15  }
0x1b6: {  	v21 =	vmul.f32 v21, v19;
	v36 =	vadd.f32 v44, v36;
	v18 =	vmul.f32 v29, v18  }
0x1b7: {  	v29 =	vadd.f32 v35, v49;
	v19 =	vmul.f32 v30, v19;
	v38 =	vadd.f32 v14, v48  }
0x1b8: {  	v57 =	vld [tilespmem:s24+$0x30];
	v26 =	vadd.f32 v26, v11;
	v31 =	vadd.f32 $0.0e+00, v31;
	v58 =	vmin.f32 v40, $0.0e+00  }
0x1b9: {  	v14 =	vld [tilespmem:s20+$0x30];
	v40 =	vmax.f32 v40, $0.0e+00;
	v21 =	vadd.f32 $0.0e+00, v21;
	v28 =	vadd.f32 v51, v13  }
0x1ba: {  	v18 =	vadd.f32 $0.0e+00, v18;
	v54 =	vperm.xlane v38, v3;
	v55 =	vmin.f32 v26, $0.0e+00  }
0x1bb: {  	v41 =	vmul.f32 $2.000000030e-01, v58;
	v42 =	vmul.f32 $2.000000030e-01, v55;
	v60 =	vmin.f32 v28, $0.0e+00  }
0x1bc: {  	v26 =	vmax.f32 v26, $0.0e+00;
	v38 =	vadd.f32 v38, v54;
	v61 =	vmul.f32 $2.000000030e-01, v60  }
0x1bd: {  	v28 =	vmax.f32 v28, $0.0e+00;
	v40 =	vadd.f32 v41, v40;
	v26 =	vadd.f32 v42, v26  }
0x1be: {  	v62 =	vadd.f32 v57, v14;
	v59 =	vperm.xlane v38, v4;
	v28 =	vadd.f32 v61, v28  }
0x1bf: {  	v19 =	vadd.f32 $0.0e+00, v19;
	v50 =	vmul.f32 v40, v16;
	v26 =	vmul.f32 v26, v17  }
0x1c0: {  	v45 =	vmin.f32 v62, $0.0e+00;
	v32 =	vadd.f32 v38, v59;
	v28 =	vmul.f32 v28, v17  }
0x1c1: {  	v16 =	vmul.f32 v36, v16;
	v45 =	vmul.f32 $2.000000030e-01, v45;
	v22 =	vadd.f32 v26, v22  }
0x1c2: {  	v26 =	vadd.f32 v50, v31;
	v32 =	vmul.f32 $1.442695020e+00, v32;
	v21 =	vadd.f32 v28, v21  }
0x1c3: {  	v38 =	vmax.f32 v62, $0.0e+00;
	v28 =	vperm.xlane v29, v1;
	v30 =	vperm.xlane v22, v1  }
0x1c4: {  	s18 =	simm.s32 $0x15020;
	v48 =	vadd.f32 v45, v38;
	v31 =	vperm.xlane v26, v1;
	v51 =	vperm.xlane v21, v1  }
0x1c5: {  	s25 =	simm.s32 $0x13020;
	v52 =	vld [tilespmem:s18+$0x70];
	(erf) = vpow2.f32 v32;
	v28 =	vadd.f32 v28, v29;
	v22 =	vadd.f32 v22, v30  }
0x1c6: {  	v37 =	vld [tilespmem:s25+$0x70];
	v17 =	vmul.f32 v48, v17;
	v26 =	vadd.f32 v26, v31;
	v21 =	vadd.f32 v21, v51  }
0x1c7: {  	v18 =	vadd.f32 v16, v18;
	v22 =	vsel vm0, v28, v22  }
0x1c8: {  	v17 =	vadd.f32 v17, v19;
	v19 =	vperm.xlane v22, v2;
	v21 =	vsel vm0, v26, v21  }
0x1c9: {  	v26 =	vperm.xlane v21, v2  }
0x1ca: {  	v16 =	vld [tilespmem:s25+$0x50];
	v28 =	vperm.xlane v18, v1;
	v29 =	vperm.xlane v17, v1;
	v19 =	vadd.f32 v22, v19  }
0x1cb: {  	v32 =	vadd.f32 v52, v37;
	v22 =	vld [tilespmem:s18+$0x50];
	v21 =	vadd.f32 v21, v26  }
0x1cc: {  	v26 =	vadd.f32 v18, v28;
	v28 =	vadd.f32 v17, v29;
	v29 =	vperm.xlane v19, v3;
	v18 =	vld [tilespmem:s25+$0x40]  }
0x1cd: {  	v57 =	vmin.f32 v32, $0.0e+00;
	v17 =	vld [tilespmem:s25+$0x60];
	v30 =	vperm.xlane v21, v3  }
0x1ce: {  	v58 =	vmul.f32 $2.000000030e-01, v57;
	v38 =	vpop (erf);
	v26 =	vsel vm0, v26, v28;
	v19 =	vadd.f32 v19, v29;
	v28 =	vld [tilespmem:s18+$0x40]  }
0x1cf: {  	v60 =	vperm.xlane v38, v5;
	v29 =	vperm.xlane v26, v2;
	v21 =	vadd.f32 v21, v30;
	v30 =	vld [tilespmem:s18+$0x60]  }
0x1d0: {  	v50 =	vld [tilespmem:s18+$0x0];
	v53 =	vperm.xlane v38, v6;
	v22 =	vadd.f32 v22, v16;
	v31 =	vperm.xlane v19, v4  }
0x1d1: {  	v42 =	vmul.f32 v60, v24;
	v24 =	vld [tilespmem:s25+$0x0];
	v26 =	vadd.f32 v26, v29;
	v29 =	vperm.xlane v21, v4  }
0x1d2: {  	v51 =	vld [tilespmem:s18+$0x20];
	v45 =	vmul.f32 v53, v25;
	v41 =	vmul.f32 v60, v23;
	v19 =	vadd.f32 v19, v31  }
0x1d3: {  	v43 =	vmul.f32 v53, v20;
	v23 =	vld [tilespmem:s25+$0x20];
	v31 =	vperm.xlane v26, v3;
	v21 =	vadd.f32 v21, v29  }
0x1d4: {  	v29 =	vmul.f32 $1.442695020e+00, v19;
	v19 =	vadd.f32 v28, v18;
	v28 =	vadd.f32 v30, v17  }
0x1d5: {  	v39 =	vld [tilespmem:s22+$0x69B0];
	v30 =	vmax.f32 v22, $0.0e+00;
	v22 =	vmin.f32 v22, $0.0e+00;
	v26 =	vadd.f32 v26, v31  }
0x1d6: {  	v46 =	vld [tilespmem:s22+$0x6980];
	v50 =	vadd.f32 v50, v24;
	v54 =	vmax.f32 v19, $0.0e+00;
	v19 =	vmin.f32 v19, $0.0e+00  }
0x1d7: {  	v44 =	vld [tilespmem:s22+$0x69A0];
	v21 =	vmul.f32 $1.442695020e+00, v21;
	v55 =	vmin.f32 v28, $0.0e+00;
	v19 =	vmul.f32 $2.000000030e-01, v19  }
0x1d8: {  	v36 =	vld [tilespmem:s22+$0x6990];
	v51 =	vadd.f32 v51, v23;
	v22 =	vmul.f32 $2.000000030e-01, v22;
	v56 =	vmul.f32 $2.000000030e-01, v55  }
0x1d9: {  	v31 =	vld [tilespmem:s18+$0xFFFFFFA0];
	(erf) = vpow2.f32 v29;
	v28 =	vmax.f32 v28, $0.0e+00;
	v40 =	vadd.f32 v19, v54  }
0x1da: {  	v29 =	vmax.f32 v32, $0.0e+00;
	v61 =	vperm.xlane v26, v4;
	v19 =	vld [tilespmem:s25+$0xFFFFFFA0];
	v28 =	vadd.f32 v56, v28  }
0x1db: {  	v25 =	vld [tilespmem:s18+$0xFFFFFFC0];
	v29 =	vadd.f32 v58, v29;
	v22 =	vadd.f32 v22, v30;
	v30 =	vmul.f32 v40, v46  }
0x1dc: {  	(erf) = vpow2.f32 v21;
	v21 =	vld [tilespmem:s25+$0xFFFFFFC0];
	v26 =	vadd.f32 v26, v61;
	v28 =	vmul.f32 v28, v44  }
0x1dd: {  	v60 =	vmin.f32 v51, $0.0e+00;
	v59 =	vmul.f32 v22, v36;
	v30 =	vadd.f32 $0.0e+00, v30  }
0x1de: {  	v29 =	vmul.f32 v29, v39;
	v26 =	vmul.f32 $1.442695020e+00, v26;
	v28 =	vadd.f32 $0.0e+00, v28  }
0x1df: {  	v49 =	vld [tilespmem:s18+$0xFFFFFF80];
	v51 =	vmax.f32 v51, $0.0e+00;
	v31 =	vadd.f32 v31, v19;
	v30 =	vadd.f32 v59, v30  }
0x1e0: {  	v60 =	vmul.f32 $2.000000030e-01, v60;
	v22 =	vld [tilespmem:s25+$0xFFFFFFE0];
	(erf) = vpow2.f32 v26;
	v28 =	vadd.f32 v29, v28  }
0x1e1: {  	v25 =	vadd.f32 v25, v21;
	v29 =	vld [tilespmem:s18+$0xFFFFFFE0];
	v20 =	vmin.f32 v31, $0.0e+00;
	v32 =	vperm.xlane v30, v1  }
0x1e2: {  	v47 =	vpop (erf);
	v26 =	vmax.f32 v31, $0.0e+00;
	v31 =	vmul.f32 $2.000000030e-01, v20;
	v20 =	vld [tilespmem:s25+$0xFFFFFF80];
	v62 =	vperm.xlane v28, v1  }
0x1e3: {  	v51 =	vadd.f32 v60, v51;
	v54 =	vmax.f32 v25, $0.0e+00;
	v40 =	vperm.xlane v47, v5  }
0x1e4: {  	v56 =	vld [tilespmem:s18+$0xFFFFFFB0];
	v25 =	vmin.f32 v25, $0.0e+00;
	v30 =	vadd.f32 v30, v32;
	v28 =	vadd.f32 v28, v62  }
0x1e5: {  	v35 =	vperm.xlane v47, v6;
	v48 =	vpop (erf);
	v33 =	vmul.f32 v40, v33;
	v53 =	vadd.f32 v31, v26;
	v31 =	vld [tilespmem:s25+$0xFFFFFFB0]  }
0x1e6: {  	v32 =	vperm.xlane v48, v5;
	v29 =	vadd.f32 v29, v22;
	v28 =	vsel vm0, v30, v28  }
0x1e7: {  	v55 =	vld [tilespmem:s18+$0xFFFFFF90];
	v53 =	vmul.f32 v53, v44;
	v49 =	vadd.f32 v49, v20;
	v52 =	vperm.xlane v28, v2  }
0x1e8: {  	v30 =	vld [tilespmem:s25+$0xFFFFFF90];
	v26 =	vmin.f32 v29, $0.0e+00;
	v59 =	vmax.f32 v29, $0.0e+00;
	v29 =	vmin.f32 v50, $0.0e+00  }
0x1e9: {  	v50 =	vmax.f32 v50, $0.0e+00;
	v53 =	vadd.f32 $0.0e+00, v53;
	v57 =	vmul.f32 $2.000000030e-01, v26  }
0x1ea: {  	v61 =	vmin.f32 v49, $0.0e+00;
	v62 =	vmul.f32 $2.000000030e-01, v29;
	v56 =	vadd.f32 v56, v31  }
0x1eb: {  	v49 =	vmax.f32 v49, $0.0e+00;
	v28 =	vadd.f32 v28, v52;
	v52 =	vmul.f32 $2.000000030e-01, v25  }
0x1ec: {  	v26 =	vld [tilespmem:s25+$0xFFFFFFF0];
	v29 =	vmul.f32 $2.000000030e-01, v61;
	v57 =	vadd.f32 v57, v59;
	v59 =	vmin.f32 v56, $0.0e+00  }
0x1ed: {  	v61 =	vld [tilespmem:s18+$0xFFFFFFF0];
	v50 =	vadd.f32 v62, v50;
	v58 =	vperm.xlane v28, v3;
	v55 =	vadd.f32 v55, v30  }
0x1ee: {  	v60 =	vld [tilespmem:s18+$0x30];
	v56 =	vmax.f32 v56, $0.0e+00;
	v49 =	vadd.f32 v29, v49;
	v52 =	vadd.f32 v52, v54  }
0x1ef: {  	v62 =	vld [tilespmem:s18+$0x10];
	v59 =	vmul.f32 $2.000000030e-01, v59;
	v57 =	vmul.f32 v57, v44;
	v28 =	vadd.f32 v28, v58  }
0x1f0: {  	v29 =	vld [tilespmem:s25+$0x10];
	v44 =	vmul.f32 v51, v44;
	v54 =	vmin.f32 v55, $0.0e+00;
	v55 =	vmax.f32 v55, $0.0e+00  }
0x1f1: {  	v25 =	vld [tilespmem:s25+$0xFFFFFFD0];
	v56 =	vadd.f32 v59, v56;
	v49 =	vmul.f32 v49, v46;
	v63 =	vperm.xlane v28, v4  }
0x1f2: {  	v58 =	vld [tilespmem:s18+$0xFFFFFFD0];
	v52 =	vmul.f32 v52, v46;
	v61 =	vadd.f32 v61, v26;
	v57 =	vadd.f32 $0.0e+00, v57  }
0x1f3: {  	v54 =	vmul.f32 $2.000000030e-01, v54;
	v44 =	vadd.f32 $0.0e+00, v44;
	v63 =	vadd.f32 v28, v63;
	v28 =	vld [tilespmem:s25+$0x30]  }
0x1f4: {  	v46 =	vmul.f32 v50, v46;
	v49 =	vadd.f32 $0.0e+00, v49;
	v52 =	vadd.f32 $0.0e+00, v52  }
0x1f5: {  	v54 =	vadd.f32 v54, v55;
	v55 =	vmin.f32 v61, $0.0e+00;
	v62 =	vadd.f32 v62, v29  }
0x1f6: {  	v46 =	vadd.f32 $0.0e+00, v46;
	v61 =	vmax.f32 v61, $0.0e+00;
	v55 =	vmul.f32 $2.000000030e-01, v55  }
0x1f7: {  	v58 =	vadd.f32 v58, v25;
	v50 =	vmin.f32 v62, $0.0e+00;
	v63 =	vmul.f32 $1.442695020e+00, v63  }
0x1f8: {  	v62 =	vmax.f32 v62, $0.0e+00;
	v50 =	vmul.f32 $2.000000030e-01, v50;
	v60 =	vadd.f32 v60, v28  }
0x1f9: {  	v54 =	vmul.f32 v54, v36;
	(erf) = vpow2.f32 v63;
	v63 =	vmin.f32 v58, $0.0e+00  }
0x1fa: {  	v50 =	vadd.f32 v50, v62;
	v59 =	vmul.f32 $2.000000030e-01, v63;
	v51 =	vmin.f32 v60, $0.0e+00  }
0x1fb: {  	v55 =	vadd.f32 v55, v61;
	v58 =	vmax.f32 v58, $0.0e+00;
	v51 =	vmul.f32 $2.000000030e-01, v51  }
0x1fc: {  	v50 =	vmul.f32 v50, v36;
	v60 =	vmax.f32 v60, $0.0e+00;
	v58 =	vadd.f32 v59, v58  }
0x1fd: {  	v56 =	vmul.f32 v56, v39;
	v49 =	vadd.f32 v54, v49;
	v51 =	vadd.f32 v51, v60  }
0x1fe: {  	v55 =	vmul.f32 v55, v39;
	v46 =	vadd.f32 v50, v46;
	v58 =	vmul.f32 v58, v36  }
0x1ff: {  	v53 =	vadd.f32 v56, v53;
	v63 =	vperm.xlane v49, v1;
	v39 =	vmul.f32 v51, v39  }
0x200: {  	s20 =	simm.s32 $0x16F40;
	v59 =	vpop (erf);
	v50 =	vperm.xlane v46, v1;
	v51 =	vadd.f32 v58, v52;
	v52 =	vadd.f32 v55, v57  }
0x201: {  	[tilespmem:s20+$0x50] =	vst v42;
	v42 =	vperm.xlane v59, v5;
	v57 =	vperm.xlane v53, v1;
	v39 =	vadd.f32 v39, v44  }
0x202: {  	[tilespmem:s20+$0x90] =	vst v38;
	v60 =	vperm.xlane v51, v1;
	v61 =	vperm.xlane v52, v1  }
0x203: {  	[tilespmem:s20+$0x80] =	vst v45;
	v58 =	vadd.f32 v63, v49;
	v54 =	vpop (erf);
	v62 =	vadd.f32 v53, v57;
	v63 =	vperm.xlane v39, v1  }
0x204: {  	[tilespmem:s20+$0x60] =	vst v41;
	v36 =	vperm.xlane v54, v6;
	v56 =	vadd.f32 v51, v60;
	v57 =	vadd.f32 v52, v61  }
0x205: {  	[tilespmem:s20+$0x70] =	vst v43;
	v38 =	vsel vm0, v58, v62;
	v58 =	vadd.f32 v46, v50;
	v39 =	vadd.f32 v39, v63  }
0x206: {  	[tilespmem:s20+$0xFFFFFFA0] =	vst v47;
	v41 =	vperm.xlane v59, v6;
	v60 =	vperm.xlane v38, v2;
	v61 =	vsel vm0, v56, v57  }
0x207: {  	[tilespmem:s20+$0xFFFFFFF0] =	vst v48;
	v37 =	vmul.f32 v36, v37;
	v62 =	vperm.xlane v61, v2;
	v39 =	vsel vm0, v58, v39  }
0x208: {  	s19 =	simm.s32 $0x17080;
	[tilespmem:s20+$0x40] =	vst v59;
	v44 =	vperm.xlane v48, v6;
	v45 =	vadd.f32 v38, v60;
	v63 =	vperm.xlane v39, v2  }
0x209: {  	[tilespmem:s19+$0x80] =	vst v37;
	v37 =	vmul.f32 v40, v34;
	v40 =	vmul.f32 v35, v27;
	v43 =	vadd.f32 v61, v62  }
0x20a: {  	s15 =	simm.s32 $0x13120;
	s24 =	simm.s32 $0x4;
	[tilespmem:s19+$0x90] =	vst v54;
	v38 =	vperm.xlane v54, v5;
	v46 =	vperm.xlane v45, v3;
	v39 =	vadd.f32 v39, v63  }
.LBB2_7:
0x20b: {  	v47 =	vld [tilespmem:s15+$0x50];
	v34 =	vperm.xlane v43, v3;
	[tilespmem:s20+$0xFFFFFF60] =	vst v33;
	v35 =	vmul.f32 v35, v11;
	v27 =	vmovc v30;
	v11 =	vmov v31  }
0x20c: {  	s18 =	sadd.s32 $0x100, s18;
	v33 =	vld [tilespmem:s15+$0x70];
	v30 =	vadd.f32 v45, v46;
	v31 =	vperm.xlane v39, v3;
	[tilespmem:s20+$0xFFFFFF70] =	vst v37;
	v45 =	vmul.f32 v32, v7  }
0x20d: {  	v15 =	vmul.f32 v32, v15;
	v32 =	vmul.f32 v44, v8;
	v37 =	vld [tilespmem:s18+$0x50];
	v34 =	vadd.f32 v43, v34;
	[tilespmem:s20+$0xFFFFFF80] =	vst v40  }
0x20e: {  	v13 =	vmul.f32 v44, v13;
	v40 =	vld [tilespmem:s15+$0x40];
	v43 =	vperm.xlane v30, v4;
	v31 =	vadd.f32 v39, v31;
	[tilespmem:s20+$0xFFFFFF90] =	vst v35  }
0x20f: {  	v44 =	vmul.f32 v42, v10;
	v7 =	vmovc v21;
	v8 =	vmov v22;
	v35 =	vld [tilespmem:s15+$0x60];
	v39 =	vperm.xlane v34, v4;
	[tilespmem:s20+$0xFFFFFFB0] =	vst v45  }
0x210: {  	v12 =	vmul.f32 v42, v12;
	v22 =	vld [tilespmem:s18+$0x40];
	v43 =	vadd.f32 v30, v43;
	v21 =	vperm.xlane v31, v4;
	[tilespmem:s20+$0xFFFFFFC0] =	vst v15  }
0x211: {  	s24 =	sadd.s32 $0x4, s24;
	v14 =	vmul.f32 v41, v14;
	v30 =	vld [tilespmem:s18+$0x60];
	v42 =	vadd.f32 v34, v39;
	[tilespmem:s20+$0xFFFFFFD0] =	vst v32;
	v32 =	vmul.f32 v41, v9  }
0x212: {  	p0 =	slt.u32 s24, $0x7C;
	v10 =	vmovc v24;
	v39 =	vld [tilespmem:s18+$0x70];
	v41 =	vmul.f32 $1.442695020e+00, v43;
	v21 =	vadd.f32 v31, v21;
	v31 =	vmul.f32 v38, v18;
	[tilespmem:s20+$0xFFFFFFE0] =	vst v13  }
0x213: {  	v9 =	vmovc v23;
	v38 =	vmul.f32 v38, v16;
	v16 =	vmovc v47;
	v34 =	vld [tilespmem:s15+$0xFFFFFFA0];
	v24 =	vmul.f32 $1.442695020e+00, v42;
	[tilespmem:s20+$0x0] =	vst v44;
	v18 =	vmov v40  }
0x214: {  	v15 =	vmovc v25;
	v13 =	vmovc v26;
	v44 =	vld [tilespmem:s18+$0xFFFFFF80];
	v23 =	vmul.f32 $1.442695020e+00, v21;
	(erf) = vpow2.f32 v41;
	[tilespmem:s20+$0x10] =	vst v12;
	v12 =	vmov v29  }
0x215: {  	v26 =	vadd.f32 v37, v16;
	v29 =	vmul.f32 v36, v17;
	v17 =	vmovc v35;
	v25 =	vld [tilespmem:s18+$0xFFFFFFA0];
	(erf) = vpow2.f32 v24;
	[tilespmem:s20+$0x20] =	vst v32  }
0x216: {  	v22 =	vadd.f32 v22, v18;
	v21 =	vld [tilespmem:s15+$0xFFFFFFC0];
	v24 =	vadd.f32 v30, v17;
	(erf) = vpow2.f32 v23;
	[tilespmem:s20+$0x30] =	vst v14;
	v14 =	vmovc v28;
	s20 =	smov.u32 s19  }
0x217: {  	v23 =	vmax.f32 v26, $0.0e+00;
	v42 =	vld [tilespmem:s22+$0x6980];
	v28 =	vadd.f32 v39, v33;
	[tilespmem:s19+$0x50] =	vst v31  }
0x218: {  	v30 =	vmax.f32 v22, $0.0e+00;
	v22 =	vmin.f32 v22, $0.0e+00;
	v43 =	vld [tilespmem:s22+$0x69A0];
	v31 =	vmin.f32 v24, $0.0e+00;
	[tilespmem:s19+$0x60] =	vst v38  }
0x219: {  	v32 =	vmul.f32 $2.000000030e-01, v22;
	v22 =	vmin.f32 v26, $0.0e+00;
	v36 =	vld [tilespmem:s22+$0x6990];
	v26 =	vmul.f32 $2.000000030e-01, v31;
	[tilespmem:s19+$0x70] =	vst v29  }
0x21a: {  	v24 =	vmax.f32 v24, $0.0e+00;
	v29 =	vmul.f32 $2.000000030e-01, v22;
	v31 =	vmin.f32 v28, $0.0e+00;
	v41 =	vld [tilespmem:s22+$0x69B0]  }
0x21b: {  	v30 =	vadd.f32 v32, v30;
	v22 =	vld [tilespmem:s15+$0xFFFFFFE0];
	v24 =	vadd.f32 v26, v24;
	v26 =	vmul.f32 $2.000000030e-01, v31  }
0x21c: {  	v35 =	vmax.f32 v28, $0.0e+00;
	v25 =	vadd.f32 v25, v34;
	v23 =	vadd.f32 v29, v23;
	v31 =	vld [tilespmem:s18+$0xFFFFFFC0]  }
0x21d: {  	v30 =	vmul.f32 v30, v42;
	v29 =	vld [tilespmem:s18+$0xFFFFFFE0];
	v32 =	vmul.f32 v24, v43;
	v26 =	vadd.f32 v26, v35;
	v28 =	vpop (erf)  }
0x21e: {  	v45 =	vmax.f32 v25, $0.0e+00;
	v25 =	vmin.f32 v25, $0.0e+00;
	v24 =	vld [tilespmem:s15+$0x0];
	v35 =	vmul.f32 v23, v36;
	[tilespmem:s19+$0xFFFFFFA0] =	vst v28;
	v40 =	vpop (erf)  }
0x21f: {  	v30 =	vadd.f32 $0.0e+00, v30;
	v23 =	vld [tilespmem:s15+$0x20];
	v32 =	vadd.f32 $0.0e+00, v32;
	v26 =	vmul.f32 v26, v41;
	[tilespmem:s19+$0xFFFFFFF0] =	vst v40;
	v38 =	vpop (erf)  }
0x220: {  	v25 =	vmul.f32 $2.000000030e-01, v25;
	v37 =	vperm.xlane v28, v5;
	v46 =	vld [tilespmem:s18+$0x0];
	[tilespmem:s19+$0x40] =	vst v38  }
0x221: {  	v48 =	vadd.f32 v35, v30;
	v35 =	vperm.xlane v28, v6;
	v47 =	vld [tilespmem:s18+$0x20];
	v26 =	vadd.f32 v26, v32  }
0x222: {  	v28 =	vadd.f32 v31, v21;
	v32 =	vperm.xlane v40, v5;
	v39 =	vld [tilespmem:s15+$0xFFFFFF80];
	v29 =	vadd.f32 v29, v22  }
0x223: {  	v45 =	vadd.f32 v25, v45;
	v25 =	vperm.xlane v48, v1;
	v30 =	vld [tilespmem:s15+$0xFFFFFF90];
	v49 =	vperm.xlane v26, v1  }
0x224: {  	v50 =	vmax.f32 v28, $0.0e+00;
	v28 =	vmin.f32 v28, $0.0e+00;
	v31 =	vld [tilespmem:s15+$0xFFFFFFB0];
	v51 =	vmin.f32 v29, $0.0e+00  }
0x225: {  	v53 =	vmul.f32 $2.000000030e-01, v28;
	v28 =	vadd.f32 v48, v25;
	v52 =	vld [tilespmem:s18+$0xFFFFFF90];
	v26 =	vadd.f32 v26, v49  }
0x226: {  	v49 =	vmul.f32 $2.000000030e-01, v51;
	v46 =	vadd.f32 v46, v24;
	v48 =	vld [tilespmem:s18+$0xFFFFFFB0];
	v47 =	vadd.f32 v47, v23  }
0x227: {  	v51 =	vmax.f32 v29, $0.0e+00;
	v44 =	vadd.f32 v44, v39;
	v25 =	vld [tilespmem:s15+$0xFFFFFFD0];
	v28 =	vsel vm0, v28, v26  }
0x228: {  	v29 =	vmin.f32 v46, $0.0e+00;
	v26 =	vld [tilespmem:s15+$0xFFFFFFF0];
	v54 =	vmin.f32 v47, $0.0e+00;
	v55 =	vperm.xlane v28, v2  }
0x229: {  	v58 =	vmul.f32 $2.000000030e-01, v29;
	v56 =	vmin.f32 v44, $0.0e+00;
	v57 =	vld [tilespmem:s18+$0xFFFFFFD0];
	v54 =	vmul.f32 $2.000000030e-01, v54  }
0x22a: {  	v56 =	vmul.f32 $2.000000030e-01, v56;
	v52 =	vadd.f32 v52, v30;
	v59 =	vld [tilespmem:s18+$0xFFFFFFF0];
	v55 =	vadd.f32 v28, v55  }
0x22b: {  	v46 =	vmax.f32 v46, $0.0e+00;
	v44 =	vmax.f32 v44, $0.0e+00;
	v48 =	vadd.f32 v48, v31;
	v29 =	vld [tilespmem:s15+$0x10]  }
0x22c: {  	v47 =	vmax.f32 v47, $0.0e+00;
	v60 =	vmin.f32 v52, $0.0e+00;
	v28 =	vld [tilespmem:s15+$0x30];
	v61 =	vperm.xlane v55, v3  }
0x22d: {  	v50 =	vadd.f32 v53, v50;
	v44 =	vadd.f32 v56, v44;
	v56 =	vmin.f32 v48, $0.0e+00;
	v53 =	vld [tilespmem:s18+$0x10]  }
0x22e: {  	v60 =	vmul.f32 $2.000000030e-01, v60;
	v57 =	vadd.f32 v57, v25;
	v62 =	vld [tilespmem:s18+$0x30];
	v55 =	vadd.f32 v55, v61  }
0x22f: {  	v49 =	vadd.f32 v49, v51;
	v56 =	vmul.f32 $2.000000030e-01, v56;
	v51 =	vadd.f32 v59, v26  }
0x230: {  	v46 =	vadd.f32 v58, v46;
	v59 =	vmin.f32 v57, $0.0e+00;
	v58 =	vperm.xlane v55, v4  }
0x231: {  	v47 =	vadd.f32 v54, v47;
	v59 =	vmul.f32 $2.000000030e-01, v59;
	v61 =	vmin.f32 v51, $0.0e+00  }
0x232: {  	v54 =	vmul.f32 $2.000000030e-01, v61;
	v53 =	vadd.f32 v53, v29;
	v55 =	vadd.f32 v55, v58  }
0x233: {  	v52 =	vmax.f32 v52, $0.0e+00;
	v48 =	vmax.f32 v48, $0.0e+00;
	v58 =	vadd.f32 v62, v28  }
0x234: {  	v57 =	vmax.f32 v57, $0.0e+00;
	v61 =	vmin.f32 v53, $0.0e+00;
	v55 =	vmul.f32 $1.442695020e+00, v55  }
0x235: {  	v51 =	vmax.f32 v51, $0.0e+00;
	v61 =	vmul.f32 $2.000000030e-01, v61;
	v62 =	vmin.f32 v58, $0.0e+00  }
0x236: {  	v53 =	vmax.f32 v53, $0.0e+00;
	v62 =	vmul.f32 $2.000000030e-01, v62;
	(erf) = vpow2.f32 v55  }
0x237: {  	v45 =	vmul.f32 v45, v43;
	v44 =	vmul.f32 v44, v42;
	v55 =	vmax.f32 v58, $0.0e+00  }
0x238: {  	v50 =	vmul.f32 v50, v42;
	v49 =	vmul.f32 v49, v43;
	v52 =	vadd.f32 v60, v52  }
0x239: {  	v43 =	vmul.f32 v47, v43;
	v42 =	vmul.f32 v46, v42;
	v48 =	vadd.f32 v56, v48  }
0x23a: {  	v46 =	vmul.f32 v52, v36;
	v47 =	vadd.f32 v59, v57;
	v51 =	vadd.f32 v54, v51  }
0x23b: {  	v48 =	vmul.f32 v48, v41;
	v52 =	vadd.f32 v61, v53;
	v53 =	vadd.f32 v62, v55  }
0x23c: {  	v45 =	vadd.f32 $0.0e+00, v45;
	v44 =	vadd.f32 $0.0e+00, v44;
	v47 =	vmul.f32 v47, v36  }
0x23d: {  	v50 =	vadd.f32 $0.0e+00, v50;
	v49 =	vadd.f32 $0.0e+00, v49;
	v51 =	vmul.f32 v51, v41  }
0x23e: {  	v43 =	vadd.f32 $0.0e+00, v43;
	v42 =	vadd.f32 $0.0e+00, v42;
	v52 =	vmul.f32 v52, v36  }
0x23f: {  	v44 =	vadd.f32 v46, v44;
	v45 =	vadd.f32 v48, v45;
	v41 =	vmul.f32 v53, v41;
	v46 =	vpop (erf)  }
0x240: {  	v47 =	vadd.f32 v47, v50;
	v48 =	vadd.f32 v51, v49;
	v36 =	vperm.xlane v46, v6  }
0x241: {  	v49 =	vperm.xlane v44, v1;
	v42 =	vadd.f32 v52, v42;
	v41 =	vadd.f32 v41, v43  }
0x242: {  	v43 =	vperm.xlane v45, v1;
	v33 =	vmul.f32 v36, v33  }
0x243: {  	s19 =	sadd.s32 $0x140, s19;
	v49 =	vadd.f32 v49, v44;
	v44 =	vperm.xlane v47, v1;
	v50 =	vperm.xlane v48, v1  }
0x244: {  	v43 =	vadd.f32 v45, v43;
	v45 =	vperm.xlane v42, v1;
	v51 =	vperm.xlane v41, v1;
	[tilespmem:s19+$0x80] =	vst v33  }
0x245: {  	v33 =	vadd.f32 v47, v44;
	v47 =	vadd.f32 v48, v50;
	v44 =	vperm.xlane v40, v6;
	[tilespmem:s19+$0x90] =	vst v46  }
0x246: {  	v41 =	vadd.f32 v41, v51;
	v40 =	vsel vm0, v49, v43;
	v43 =	vadd.f32 v42, v45  }
.Ltmp2:
0x247: {  	v42 =	vperm.xlane v38, v5;
	v45 =	vperm.xlane v40, v2;
	v33 =	vsel vm0, v33, v47;
	(pc) =	sbr.rel @p0 .LBB2_7-.Ltmp2, $4  }
0x248: {  	v48 =	vsel vm0, v43, v41;
	v41 =	vperm.xlane v38, v6;
	v47 =	vperm.xlane v33, v2  }
0x249: {  	v38 =	vperm.xlane v46, v5;
	v45 =	vadd.f32 v40, v45;
	v40 =	vperm.xlane v48, v2  }
0x24a: {  	v43 =	vadd.f32 v33, v47;
	v33 =	vmul.f32 v37, v20;
	v37 =	vmul.f32 v37, v27;
	v20 =	vmovc v39  }
0x24b: {  	s15 =	sadd.s32 $0x100, s15;
	v46 =	vperm.xlane v45, v3;
	v39 =	vadd.f32 v48, v40;
	v40 =	vmul.f32 v35, v19;
	v19 =	vmovc v34  }
0x24c: {  	_ = 	snop  }
0x24d: {  	v27 =	vperm.xlane v43, v3;
	v34 =	vadd.f32 v45, v46  }
0x24e: {  	v63 =	vperm.xlane v39, v3  }
0x24f: {  	v27 =	vadd.f32 v43, v27;
	v47 =	vperm.xlane v34, v4  }
0x250: {  	v39 =	vadd.f32 v39, v63  }
0x251: {  	[tilespmem:s20+$0xFFFFFF60] =	vst v33;
	v48 =	vperm.xlane v27, v4;
	v34 =	vadd.f32 v34, v47  }
0x252: {  	v11 =	vmul.f32 v35, v11;
	[tilespmem:s20+$0xFFFFFF70] =	vst v37;
	v49 =	vperm.xlane v39, v4  }
0x253: {  	v7 =	vmul.f32 v32, v7;
	[tilespmem:s20+$0xFFFFFF80] =	vst v40;
	v27 =	vadd.f32 v27, v48;
	v50 =	vmul.f32 $1.442695020e+00, v34  }
0x254: {  	v15 =	vmul.f32 v32, v15;
	v8 =	vmul.f32 v44, v8;
	[tilespmem:s20+$0xFFFFFF90] =	vst v11;
	v51 =	vadd.f32 v39, v49  }
0x255: {  	[tilespmem:s20+$0xFFFFFFB0] =	vst v7;
	v7 =	vmul.f32 $1.442695020e+00, v27;
	(erf) = vpow2.f32 v50  }
0x256: {  	v13 =	vmul.f32 v44, v13;
	[tilespmem:s20+$0xFFFFFFC0] =	vst v15;
	v11 =	vmul.f32 $1.442695020e+00, v51  }
0x257: {  	v10 =	vmul.f32 v42, v10;
	[tilespmem:s20+$0xFFFFFFD0] =	vst v8;
	(erf) = vpow2.f32 v7  }
0x258: {  	[tilespmem:s20+$0xFFFFFFE0] =	vst v13;
	v7 =	vmul.f32 v42, v12;
	(erf) = vpow2.f32 v11  }
0x259: {  	v52 =	vmul.f32 v41, v14;
	[tilespmem:s20+$0x0] =	vst v10  }
0x25a: {  	v53 =	vmul.f32 v36, v17;
	[tilespmem:s20+$0x10] =	vst v7;
	v7 =	vmul.f32 v38, v18  }
0x25b: {  	v8 =	vmul.f32 v41, v9;
	[tilespmem:s20+$0x30] =	vst v52  }
0x25c: {  	[tilespmem:s19+$0x70] =	vst v53  }
0x25d: {  	[tilespmem:s20+$0x20] =	vst v8;
	v8 =	vmul.f32 v38, v16  }
0x25e: {  	[tilespmem:s19+$0x50] =	vst v7;
	v7 =	vpop (erf)  }
0x25f: {  	[tilespmem:s19+$0x60] =	vst v8;
	v8 =	vperm.xlane v7, v5  }
0x260: {  	[tilespmem:s19+$0xFFFFFFA0] =	vst v7;
	v54 =	vpop (erf)  }
0x261: {  	v7 =	vperm.xlane v7, v6;
	[tilespmem:s19+$0xFFFFFFF0] =	vst v54;
	v55 =	vpop (erf);
	v56 =	vmul.f32 v8, v20  }
0x262: {  	[tilespmem:s19+$0x40] =	vst v55;
	v8 =	vmul.f32 v8, v30  }
0x263: {  	v57 =	vperm.xlane v54, v5;
	v58 =	vmul.f32 v7, v19;
	[tilespmem:s19+$0xFFFFFF60] =	vst v56  }
0x264: {  	v7 =	vmul.f32 v7, v31;
	[tilespmem:s19+$0xFFFFFF70] =	vst v8  }
0x265: {  	v62 =	vperm.xlane v55, v6;
	v59 =	vmul.f32 v57, v21;
	[tilespmem:s19+$0xFFFFFF80] =	vst v58  }
0x266: {  	v60 =	vmul.f32 v57, v25;
	v8 =	vperm.xlane v54, v6;
	[tilespmem:s19+$0xFFFFFF90] =	vst v7  }
0x267: {  	v9 =	vmul.f32 v62, v28;
	[tilespmem:s19+$0xFFFFFFB0] =	vst v59  }
0x268: {  	v7 =	vperm.xlane v55, v5;
	[tilespmem:s19+$0xFFFFFFC0] =	vst v60;
	v61 =	vmul.f32 v8, v22  }
0x269: {  	s17 =	sadd.s32 $0x1, s17;
	v8 =	vmul.f32 v8, v26;
	[tilespmem:s19+$0x30] =	vst v9  }
0x26a: {  	p0 =	sne.s32 s17, $0x51;
	v63 =	vmul.f32 v7, v24;
	[tilespmem:s19+$0xFFFFFFD0] =	vst v61  }
.Ltmp3:
0x26b: {  	v7 =	vmul.f32 v7, v29;
	[tilespmem:s19+$0xFFFFFFE0] =	vst v8;
	(pc) =	sbr.rel @p0 .LBB2_4-.Ltmp3, $4  }
0x26c: {  	v8 =	vmul.f32 v62, v23;
	[tilespmem:s19+$0x0] =	vst v63  }
0x26d: {  	[tilespmem:s19+$0x10] =	vst v7  }
0x26e: {  	[tilespmem:s19+$0x20] =	vst v8  }
0x26f: {  	[spmem:s2] =	stream.indirect.scatter.add.f32 [tilespmem:s14], [sflag:$0x4], $0x50, s13, s30, $0xb8;
	[tilespmem:$0x19820] =	vst v63  }
0x270: {  	s15 =	simm.s32 $0x3  }
0x271: {  	_ =	swait.ge [sflag:s15], $0x2800  }
0x272: {  	[sflag:s15] =	ssyncset.done $0x0  }
0x273: {  	[sflag:s15] =	ssyncadd.s32 $0xFFFFD800  }
0x274: {  	_ =	swait.ge [sflag:s16], $0x2800  }
0x275: {  	[sflag:s16] =	ssyncset.done $0x0  }
0x276: {  	s24 =	stileid.u32;
	[sflag:s16] =	ssyncadd.s32 $0xFFFFD800  }
0x277: {  	s15 =	sshll.u32 s24, $0x6;
	[bflag:$0x0] =	sbarrier.arrive $0xFFFF  }
0x278: {  	s17 =	sshrl.u32 s10, $0x3;
	s15 =	sor.u32 $0x1C05, s15;
	s18 =	rddreg [dreg:$0xf]  }
0x279: {  	[hbm:s18], [sflag:s15] =	dma.local [spmem:s17], $0x1874  }
0x27a: {  	_ =	swait.ge [sflag:s28], $0x1874  }
0x27b: {  	s3 =	sadd.s32 $0x1, s3;
	s25 =	rddreg [dreg:$0x10]  }
0x27c: {  	p0 =	sne.s32 s3, s25  }
.Ltmp4:
0x27d: {  	_ = 	snop;
	(pc) =	sbr.rel @p0 .LBB2_1-.Ltmp4, $3  }
0x27e: {  	_ =	sdelay $0x1  }
0x27f: {  	[sflag:s28] =	ssyncset.done $0x0  }
0x280: {  	[sflag:s28] =	ssyncadd.s32 $0xFFFFE78C  }
0x281: {  	_ =	sfence.sel $0x180000  }
0x282: {  	[bflag:$0x0] =	sbarrier.arrive $0xFFFF  }
0x283: {  	_ =	strace $0x90000047  }
0x284: {  	s0 =	stileid.u32;
	[bflag:$0x2] =	sbarrier.arrive $0xFFFF  }
0x285: {  	p0 =	sne.s32 s0, $0x0;
	s0 =	rddreg [dreg:$0x3]  }
0x286: {  	s0 =	sadd.s32 @!p0 $0x100000, s0  }
0x287: {  	[sflag:s0] =	ssyncadd.tile.s32 @!p0 $0x1;
	_ =	shalt  }
.Lfunc_end2:
_tile_overlayer_lowered:
.L_overlay_start_2:
0x288: {  	(tag) =	ssettag $0x2  }
0x289: {  	s0 =	rddreg [dreg:$0x0];
	s2 =	stileid.u32  }
0x28a: {  	s1 =	rddreg [dreg:$0x1];
	p0 =	sne.s32 s2, $0x0  }
0x28b: {  	s3 =	rddreg [dreg:$0x2];
	[bflag:$0x3] =	sbarrier.arrive $0xFFFF;
	s2 =	simm.s32 @!p0 $0x1C05  }
0x28c: {  	[timem:s3], [sflag:s2] =	dma.local @!p0 [hbm:s0], s1  }
0x28d: {  	s0 =	simm.s32 @!p0 $0x5  }
0x28e: {  	_ =	swait.ge @!p0 [sflag:s0], s1  }
0x28f: {  	s1 =	ssub.s32 @!p0 $0x0, s1;
	[sflag:s0] =	ssyncset.done @!p0 $0x0  }
0x290: {  	[sflag:s0] =	ssyncadd.s32 @!p0 s1  }
0x291: {  	[bflag:$0x3] =	sbarrier.arrive $0xFFFF  }
0x292: {  	_ =	shalt  }

</sc_bundles>
